<compile_context>
chip_gen: v7x
topology: tpu7x:2x2x1
jax: 0.10.2.dev20260603
libtpu: 0.0.44.dev20260713+nightly
codegen_flags: <defaults>
</compile_context>

<pallas_src>
import functools

import jax
import jax.numpy as jnp
from jax import lax
from jax.experimental import pallas as pl
from jax.experimental.pallas import tpu as pltpu
from jax.experimental.pallas import tpu_sc as plsc

N_ANG = 8
N_EL = 128
N_S = 2048
NZ = 512
NX = 256
NPIX = NZ * NX
NW = 32
PPW = NPIX // NW
NV = PPW // 16
EB = 2
NEB = N_EL // EB
RF_BLK = EB * N_ANG * N_S

_mesh = plsc.VectorSubcoreMesh(core_axis_name="c", subcore_axis_name="s")


@functools.partial(
    pl.kernel,
    out_type=jax.ShapeDtypeStruct((N_ANG, NPIX), jnp.float32),
    mesh=_mesh,
    compiler_params=pltpu.CompilerParams(needs_layout_passes=False),
    scratch_types=[
        pltpu.VMEM((RF_BLK,), jnp.float32),
        pltpu.VMEM((N_ANG, 16), jnp.float32),
        pltpu.VMEM((16,), jnp.float32),
        pltpu.VMEM((N_ANG, PPW), jnp.float32),
        pltpu.VMEM((EB, PPW), jnp.float32),
        pltpu.VMEM((EB, PPW), jnp.float32),
        pltpu.VMEM((N_ANG, PPW), jnp.float32),
    ],
)
def _das(rf_hbm, t0_hbm, inv_hbm, dtx_hbm, drx_hbm, apod_hbm, out_hbm,
         rf_v, t0_v, inv_v, a_v, drx_v, apod_v, acc_v):
    wid = lax.axis_index("s") * 2 + lax.axis_index("c")
    base = wid * PPW

    pltpu.sync_copy(t0_hbm, t0_v)
    pltpu.sync_copy(inv_hbm, inv_v)
    pltpu.sync_copy(dtx_hbm.at[:, pl.ds(base, PPW)], a_v)

    inv = inv_v[:]
    t0s = [t0_v[a, :] for a in range(N_ANG)]

    @plsc.parallel_loop(0, NV)
    def _init(v):
        off = v * 16
        for a in range(N_ANG):
            a_v[a, pl.ds(off, 16)] = (
                (t0s[a] + jnp.float32(a * N_S)) + a_v[a, pl.ds(off, 16)] * inv)
            acc_v[a, pl.ds(off, 16)] = jnp.zeros((16,), jnp.float32)

    def eblk_body(eb, _):
        pltpu.sync_copy(rf_hbm.at[pl.ds(eb * RF_BLK, RF_BLK)], rf_v)
        pltpu.sync_copy(drx_hbm.at[pl.ds(eb * EB, EB), pl.ds(base, PPW)], drx_v)
        pltpu.sync_copy(apod_hbm.at[pl.ds(eb * EB, EB), pl.ds(base, PPW)], apod_v)

        @plsc.parallel_loop(0, NV)
        def _v(v):
            off = v * 16
            bs = [drx_v[e, pl.ds(off, 16)] * inv for e in range(EB)]
            ws = [apod_v[e, pl.ds(off, 16)] for e in range(EB)]
            for a in range(N_ANG):
                av = a_v[a, pl.ds(off, 16)]
                acc = acc_v[a, pl.ds(off, 16)]
                for e in range(EB):
                    s = av + bs[e]
                    il = s.astype(jnp.int32)
                    fr = s - il.astype(jnp.float32)
                    bi = il + e * (N_ANG * N_S)
                    lo = plsc.load_gather(rf_v, [bi])
                    hi = plsc.load_gather(rf_v, [bi + 1])
                    acc = acc + (lo + fr * (hi - lo)) * ws[e]
                acc_v[a, pl.ds(off, 16)] = acc

        return _

    lax.fori_loop(0, NEB, eblk_body, None)
    pltpu.sync_copy(acc_v, out_hbm.at[:, pl.ds(base, PPW)])


def kernel(rf, t0, d_tx, d_rx, fs, c0, apod):
    rf_flat = jnp.transpose(rf, (1, 0, 2)).reshape(-1)
    t0b = jnp.broadcast_to((t0 * fs).astype(jnp.float32)[:, None], (N_ANG, 16))
    invb = jnp.full((16,), fs / c0, dtype=jnp.float32)
    out = _das(rf_flat, t0b, invb,
               d_tx.reshape(N_ANG, NPIX),
               d_rx.reshape(N_EL, NPIX),
               apod.reshape(N_EL, NPIX))
    return out.reshape(N_ANG, NZ, NX)

# --- scband reference (transcript-rebuilt; emitter-appended) ---
"""Pipeline reference for scband-rfinter-das-67585605370339 (READ-ONLY COPY).

The authoritative reference and input builder live on the scoring server;
editing this copy changes nothing except your own understanding.
"""

import jax, jax.numpy as jnp
import numpy as np

N_ANGLES = 8
N_ELEMENTS = 128
N_SAMPLES = 2048
NZ = 512
NX = 256
BATCH_SIZE = 2


def setup_inputs(seed: int = 0) -> dict:
    key = jax.random.key(seed)
    ks = jax.random.split(key, 5)
    rf = jax.random.normal(ks[0], (N_ANGLES, N_ELEMENTS, N_SAMPLES), dtype=jnp.float32)
    # physically-scaled quantities so interpolation indices land inside [0, n_samples)
    t0 = jax.random.uniform(ks[1], (N_ANGLES,), dtype=jnp.float32) * 1e-6
    d_tx = jax.random.uniform(ks[2], (N_ANGLES, NZ, NX), dtype=jnp.float32) * 0.06
    d_rx = jax.random.uniform(ks[3], (N_ELEMENTS, NZ, NX), dtype=jnp.float32) * 0.05
    apod = jax.random.uniform(ks[4], (N_ELEMENTS, NZ, NX), dtype=jnp.float32)
    return {"rf": rf, "t0": t0, "d_tx": d_tx, "d_rx": d_rx, "fs": 25000000, "c0": 1540, "apod": apod}


def reference(rf, t0, d_tx, d_rx, fs, c0, apod):
    n_angles, n_elements, n_samples = rf.shape
    _, nz, nx = d_tx.shape
    outs = []
    for i in range(0, n_angles, BATCH_SIZE):
        end_idx = min(i + BATCH_SIZE, n_angles)
        batch_ang = end_idx - i
        rf_b = rf[i:end_idx]
        d_tx_b = d_tx[i:end_idx]
        t0_b = t0[i:end_idx]
        tau = t0_b.reshape(-1, 1, 1, 1) + (d_tx_b[:, None, :, :] + d_rx[None, :, :, :]) / c0
        s_idx = tau * fs
        s_idx = jnp.clip(s_idx, 0.0, float(n_samples - 1.001))
        idx_low = s_idx.astype(jnp.int32)
        idx_high = idx_low + 1
        idx_frac = s_idx - idx_low.astype(jnp.float32)
        flat_idx_low = idx_low.reshape(batch_ang, n_elements, -1)
        flat_idx_high = idx_high.reshape(batch_ang, n_elements, -1)
        s_low = jnp.take_along_axis(rf_b, flat_idx_low, axis=2).reshape(batch_ang, n_elements, nz, nx)
        s_high = jnp.take_along_axis(rf_b, flat_idx_high, axis=2).reshape(batch_ang, n_elements, nz, nx)
        sampled = s_low + idx_frac * (s_high - s_low)
        weighted = sampled * apod[None, :, :, :]
        outs.append(jnp.sum(weighted, axis=1))
    return jnp.concatenate(outs, axis=0)

if __name__ == "__main__":
    import jax
    _d = setup_inputs()
    print(jax.jit(kernel)(*tuple(_d.values())))

</pallas_src>

<mosaic_0001>
#map = affine_map<(d0, d1) -> (0)>
#map1 = affine_map<(d0, d1) -> (0, 0)>
module attributes {stable_mosaic.version = 14 : i64} {
  func.func @_das(%arg0: i32, %arg1: i32, %arg2: memref<2097152xf32, #tpu.memory_space<hbm>>, %arg3: memref<8x16xf32, #tpu.memory_space<hbm>>, %arg4: memref<16xf32, #tpu.memory_space<hbm>>, %arg5: memref<8x131072xf32, #tpu.memory_space<hbm>>, %arg6: memref<128x131072xf32, #tpu.memory_space<hbm>>, %arg7: memref<128x131072xf32, #tpu.memory_space<hbm>>, %arg8: memref<8x131072xf32, #tpu.memory_space<hbm>>, %arg9: memref<32768xf32, #tpu.memory_space<vmem>>, %arg10: memref<8x16xf32, #tpu.memory_space<vmem>>, %arg11: memref<16xf32, #tpu.memory_space<vmem>>, %arg12: memref<8x4096xf32, #tpu.memory_space<vmem>>, %arg13: memref<2x4096xf32, #tpu.memory_space<vmem>>, %arg14: memref<2x4096xf32, #tpu.memory_space<vmem>>, %arg15: memref<8x4096xf32, #tpu.memory_space<vmem>>) attributes {dimension_semantics = [#tpu.dimension_semantics<core_parallel>, #tpu.dimension_semantics<subcore_parallel>], iteration_bounds = array<i64: 2, 16>, scalar_prefetch = 0 : i64, scratch_operands = 7 : i64, tpu.core_type = #tpu.core_type<sc_vector_subcore>, window_params = [{transform_indices = #map}, {transform_indices = #map1}, {transform_indices = #map}, {transform_indices = #map1}, {transform_indices = #map1}, {transform_indices = #map1}, {transform_indices = #map1}]} {
    %mul3A = arith.constant 2 : i32
    %mul3A_0 = arith.muli %arg1, %mul3A : i32
    %add3A = arith.addi %mul3A_0, %arg0 : i32
    %mul3A_1 = arith.constant 4096 : i32
    %mul3A_2 = arith.muli %add3A, %mul3A_1 : i32
    "tpu.region"() ({
      %run_scoped3A = tpu.sem_alloc : memref<!tpu.dma_semaphore, #tpu.memory_space<semaphore_mem>>
      tpu.enqueue_dma source(%arg3 : memref<8x16xf32, #tpu.memory_space<hbm>>) target(%arg10 : memref<8x16xf32, #tpu.memory_space<vmem>>) target_semaphore(%run_scoped3A : memref<!tpu.dma_semaphore, #tpu.memory_space<semaphore_mem>>)
      tpu.wait_dma2 semaphore(%run_scoped3A : memref<!tpu.dma_semaphore, #tpu.memory_space<semaphore_mem>>) src(%arg3 : memref<8x16xf32, #tpu.memory_space<hbm>>) dst(%arg10 : memref<8x16xf32, #tpu.memory_space<vmem>>)
      tpu.yield
    }) : () -> ()
    "tpu.region"() ({
      %run_scoped3A = tpu.sem_alloc : memref<!tpu.dma_semaphore, #tpu.memory_space<semaphore_mem>>
      tpu.enqueue_dma source(%arg4 : memref<16xf32, #tpu.memory_space<hbm>>) target(%arg11 : memref<16xf32, #tpu.memory_space<vmem>>) target_semaphore(%run_scoped3A : memref<!tpu.dma_semaphore, #tpu.memory_space<semaphore_mem>>)
      tpu.wait_dma2 semaphore(%run_scoped3A : memref<!tpu.dma_semaphore, #tpu.memory_space<semaphore_mem>>) src(%arg4 : memref<16xf32, #tpu.memory_space<hbm>>) dst(%arg11 : memref<16xf32, #tpu.memory_space<vmem>>)
      tpu.yield
    }) : () -> ()
    "tpu.region"() ({
      %run_scoped3A = tpu.sem_alloc : memref<!tpu.dma_semaphore, #tpu.memory_space<semaphore_mem>>
      %dma_start3A = arith.constant 0 : i32
      %dma_start3A_42 = tpu.memref_slice %arg5[%dma_start3A, %mul3A_2] : memref<8x131072xf32, #tpu.memory_space<hbm>> -> memref<8x4096xf32, #tpu.memory_space<hbm>>
      %dma_start3A_43 = arith.constant 0 : i32
      %dma_start3A_44 = tpu.memref_slice %arg5[%dma_start3A_43, %mul3A_2] : memref<8x131072xf32, #tpu.memory_space<hbm>> -> memref<8x4096xf32, #tpu.memory_space<hbm>>
      tpu.enqueue_dma source(%dma_start3A_44 : memref<8x4096xf32, #tpu.memory_space<hbm>>) target(%arg12 : memref<8x4096xf32, #tpu.memory_space<vmem>>) target_semaphore(%run_scoped3A : memref<!tpu.dma_semaphore, #tpu.memory_space<semaphore_mem>>)
      %dma_wait3A = arith.constant 0 : i32
      %dma_wait3A_45 = tpu.memref_slice %arg5[%dma_wait3A, %mul3A_2] : memref<8x131072xf32, #tpu.memory_space<hbm>> -> memref<8x4096xf32, #tpu.memory_space<hbm>>
      %dma_wait3A_46 = arith.constant 0 : i32
      %dma_wait3A_47 = tpu.memref_slice %arg5[%dma_wait3A_46, %mul3A_2] : memref<8x131072xf32, #tpu.memory_space<hbm>> -> memref<8x4096xf32, #tpu.memory_space<hbm>>
      tpu.wait_dma2 semaphore(%run_scoped3A : memref<!tpu.dma_semaphore, #tpu.memory_space<semaphore_mem>>) src(%dma_wait3A_47 : memref<8x4096xf32, #tpu.memory_space<hbm>>) dst(%arg12 : memref<8x4096xf32, #tpu.memory_space<vmem>>)
      tpu.yield
    }) : () -> ()
    %get3A = arith.constant 0 : index
    %get3A_3 = tpu.vector_load %arg11[%get3A] {strides = array<i32>} : memref<16xf32, #tpu.memory_space<vmem>>, vector<16xf32>,
    %get3A_4 = arith.constant 0 : i32
    %get3A_5 = arith.index_cast %get3A_4 : i32 to index
    %get3A_6 = arith.constant 0 : index
    %get3A_7 = tpu.vector_load %arg10[%get3A_5, %get3A_6] {strides = array<i32>} : memref<8x16xf32, #tpu.memory_space<vmem>>, vector<16xf32>,
    %get3A_8 = arith.constant 1 : i32
    %get3A_9 = arith.index_cast %get3A_8 : i32 to index
    %get3A_10 = arith.constant 0 : index
    %get3A_11 = tpu.vector_load %arg10[%get3A_9, %get3A_10] {strides = array<i32>} : memref<8x16xf32, #tpu.memory_space<vmem>>, vector<16xf32>,
    %get3A_12 = arith.constant 2 : i32
    %get3A_13 = arith.index_cast %get3A_12 : i32 to index
    %get3A_14 = arith.constant 0 : index
    %get3A_15 = tpu.vector_load %arg10[%get3A_13, %get3A_14] {strides = array<i32>} : memref<8x16xf32, #tpu.memory_space<vmem>>, vector<16xf32>,
    %get3A_16 = arith.constant 3 : i32
    %get3A_17 = arith.index_cast %get3A_16 : i32 to index
    %get3A_18 = arith.constant 0 : index
    %get3A_19 = tpu.vector_load %arg10[%get3A_17, %get3A_18] {strides = array<i32>} : memref<8x16xf32, #tpu.memory_space<vmem>>, vector<16xf32>,
    %get3A_20 = arith.constant 4 : i32
    %get3A_21 = arith.index_cast %get3A_20 : i32 to index
    %get3A_22 = arith.constant 0 : index
    %get3A_23 = tpu.vector_load %arg10[%get3A_21, %get3A_22] {strides = array<i32>} : memref<8x16xf32, #tpu.memory_space<vmem>>, vector<16xf32>,
    %get3A_24 = arith.constant 5 : i32
    %get3A_25 = arith.index_cast %get3A_24 : i32 to index
    %get3A_26 = arith.constant 0 : index
    %get3A_27 = tpu.vector_load %arg10[%get3A_25, %get3A_26] {strides = array<i32>} : memref<8x16xf32, #tpu.memory_space<vmem>>, vector<16xf32>,
    %get3A_28 = arith.constant 6 : i32
    %get3A_29 = arith.index_cast %get3A_28 : i32 to index
    %get3A_30 = arith.constant 0 : index
    %get3A_31 = tpu.vector_load %arg10[%get3A_29, %get3A_30] {strides = array<i32>} : memref<8x16xf32, #tpu.memory_space<vmem>>, vector<16xf32>,
    %get3A_32 = arith.constant 7 : i32
    %get3A_33 = arith.index_cast %get3A_32 : i32 to index
    %get3A_34 = arith.constant 0 : index
    %get3A_35 = tpu.vector_load %arg10[%get3A_33, %get3A_34] {strides = array<i32>} : memref<8x16xf32, #tpu.memory_space<vmem>>, vector<16xf32>,
    %parallel_loop3A = arith.constant 0 : i32
    %parallel_loop3A_36 = arith.constant 256 : i32
    %parallel_loop3A_37 = arith.constant 1 : i32
    scf.for %parallel_loop3A_42 = %parallel_loop3A to %parallel_loop3A_36 step %parallel_loop3A_37  : i32 {
      %parallel_loop3A_43 = arith.constant 16 : i32
      %parallel_loop3A_44 = arith.muli %parallel_loop3A_42, %parallel_loop3A_43 : i32
      %parallel_loop3A_45 = arith.constant 0.000000e+00 : f32
      %parallel_loop3A_46 = vector.broadcast %parallel_loop3A_45 : f32 to vector<16xf32>
      %parallel_loop3A_47 = arith.addf %get3A_7, %parallel_loop3A_46 : vector<16xf32>
      %parallel_loop3A_48 = arith.constant 0 : i32
      %parallel_loop3A_49 = arith.index_cast %parallel_loop3A_48 : i32 to index
      %parallel_loop3A_50 = arith.index_cast %parallel_loop3A_44 : i32 to index
      %parallel_loop3A_51 = tpu.vector_load %arg12[%parallel_loop3A_49, %parallel_loop3A_50] {strides = array<i32>} : memref<8x4096xf32, #tpu.memory_space<vmem>>, vector<16xf32>,
      %parallel_loop3A_52 = arith.mulf %parallel_loop3A_51, %get3A_3 : vector<16xf32>
      %parallel_loop3A_53 = arith.addf %parallel_loop3A_47, %parallel_loop3A_52 : vector<16xf32>
      %parallel_loop3A_54 = arith.constant 0 : i32
      %parallel_loop3A_55 = arith.index_cast %parallel_loop3A_54 : i32 to index
      %parallel_loop3A_56 = arith.index_cast %parallel_loop3A_44 : i32 to index
      %parallel_loop3A_57 = tpu.vector_load %arg12[%parallel_loop3A_55, %parallel_loop3A_56] {strides = array<i32>} : memref<8x4096xf32, #tpu.memory_space<vmem>>, vector<16xf32>,
      tpu.vector_store %arg12[%parallel_loop3A_55, %parallel_loop3A_56], %parallel_loop3A_53 {strides = array<i32>} : memref<8x4096xf32, #tpu.memory_space<vmem>>, vector<16xf32>,
      %parallel_loop3A_58 = arith.constant 0.000000e+00 : f32
      %parallel_loop3A_59 = vector.broadcast %parallel_loop3A_58 : f32 to vector<16xf32>
      %parallel_loop3A_60 = arith.constant 0 : i32
      %parallel_loop3A_61 = arith.index_cast %parallel_loop3A_60 : i32 to index
      %parallel_loop3A_62 = arith.index_cast %parallel_loop3A_44 : i32 to index
      %parallel_loop3A_63 = tpu.vector_load %arg15[%parallel_loop3A_61, %parallel_loop3A_62] {strides = array<i32>} : memref<8x4096xf32, #tpu.memory_space<vmem>>, vector<16xf32>,
      tpu.vector_store %arg15[%parallel_loop3A_61, %parallel_loop3A_62], %parallel_loop3A_59 {strides = array<i32>} : memref<8x4096xf32, #tpu.memory_space<vmem>>, vector<16xf32>,
      %parallel_loop3A_64 = arith.constant 2.048000e+03 : f32
      %parallel_loop3A_65 = vector.broadcast %parallel_loop3A_64 : f32 to vector<16xf32>
      %parallel_loop3A_66 = arith.addf %get3A_11, %parallel_loop3A_65 : vector<16xf32>
      %parallel_loop3A_67 = arith.constant 1 : i32
      %parallel_loop3A_68 = arith.index_cast %parallel_loop3A_67 : i32 to index
      %parallel_loop3A_69 = arith.index_cast %parallel_loop3A_44 : i32 to index
      %parallel_loop3A_70 = tpu.vector_load %arg12[%parallel_loop3A_68, %parallel_loop3A_69] {strides = array<i32>} : memref<8x4096xf32, #tpu.memory_space<vmem>>, vector<16xf32>,
      %parallel_loop3A_71 = arith.mulf %parallel_loop3A_70, %get3A_3 : vector<16xf32>
      %parallel_loop3A_72 = arith.addf %parallel_loop3A_66, %parallel_loop3A_71 : vector<16xf32>
      %parallel_loop3A_73 = arith.constant 1 : i32
      %parallel_loop3A_74 = arith.index_cast %parallel_loop3A_73 : i32 to index
      %parallel_loop3A_75 = arith.index_cast %parallel_loop3A_44 : i32 to index
      %parallel_loop3A_76 = tpu.vector_load %arg12[%parallel_loop3A_74, %parallel_loop3A_75] {strides = array<i32>} : memref<8x4096xf32, #tpu.memory_space<vmem>>, vector<16xf32>,
      tpu.vector_store %arg12[%parallel_loop3A_74, %parallel_loop3A_75], %parallel_loop3A_72 {strides = array<i32>} : memref<8x4096xf32, #tpu.memory_space<vmem>>, vector<16xf32>,
      %parallel_loop3A_77 = arith.constant 0.000000e+00 : f32
      %parallel_loop3A_78 = vector.broadcast %parallel_loop3A_77 : f32 to vector<16xf32>
      %parallel_loop3A_79 = arith.constant 1 : i32
      %parallel_loop3A_80 = arith.index_cast %parallel_loop3A_79 : i32 to index
      %parallel_loop3A_81 = arith.index_cast %parallel_loop3A_44 : i32 to index
      %parallel_loop3A_82 = tpu.vector_load %arg15[%parallel_loop3A_80, %parallel_loop3A_81] {strides = array<i32>} : memref<8x4096xf32, #tpu.memory_space<vmem>>, vector<16xf32>,
      tpu.vector_store %arg15[%parallel_loop3A_80, %parallel_loop3A_81], %parallel_loop3A_78 {strides = array<i32>} : memref<8x4096xf32, #tpu.memory_space<vmem>>, vector<16xf32>,
      %parallel_loop3A_83 = arith.constant 4.096000e+03 : f32
      %parallel_loop3A_84 = vector.broadcast %parallel_loop3A_83 : f32 to vector<16xf32>
      %parallel_loop3A_85 = arith.addf %get3A_15, %parallel_loop3A_84 : vector<16xf32>
      %parallel_loop3A_86 = arith.constant 2 : i32
      %parallel_loop3A_87 = arith.index_cast %parallel_loop3A_86 : i32 to index
      %parallel_loop3A_88 = arith.index_cast %parallel_loop3A_44 : i32 to index
      %parallel_loop3A_89 = tpu.vector_load %arg12[%parallel_loop3A_87, %parallel_loop3A_88] {strides = array<i32>} : memref<8x4096xf32, #tpu.memory_space<vmem>>, vector<16xf32>,
      %parallel_loop3A_90 = arith.mulf %parallel_loop3A_89, %get3A_3 : vector<16xf32>
      %parallel_loop3A_91 = arith.addf %parallel_loop3A_85, %parallel_loop3A_90 : vector<16xf32>
      %parallel_loop3A_92 = arith.constant 2 : i32
      %parallel_loop3A_93 = arith.index_cast %parallel_loop3A_92 : i32 to index
      %parallel_loop3A_94 = arith.index_cast %parallel_loop3A_44 : i32 to index
      %parallel_loop3A_95 = tpu.vector_load %arg12[%parallel_loop3A_93, %parallel_loop3A_94] {strides = array<i32>} : memref<8x4096xf32, #tpu.memory_space<vmem>>, vector<16xf32>,
      tpu.vector_store %arg12[%parallel_loop3A_93, %parallel_loop3A_94], %parallel_loop3A_91 {strides = array<i32>} : memref<8x4096xf32, #tpu.memory_space<vmem>>, vector<16xf32>,
      %parallel_loop3A_96 = arith.constant 0.000000e+00 : f32
      %parallel_loop3A_97 = vector.broadcast %parallel_loop3A_96 : f32 to vector<16xf32>
      %parallel_loop3A_98 = arith.constant 2 : i32
      %parallel_loop3A_99 = arith.index_cast %parallel_loop3A_98 : i32 to index
      %parallel_loop3A_100 = arith.index_cast %parallel_loop3A_44 : i32 to index
      %parallel_loop3A_101 = tpu.vector_load %arg15[%parallel_loop3A_99, %parallel_loop3A_100] {strides = array<i32>} : memref<8x4096xf32, #tpu.memory_space<vmem>>, vector<16xf32>,
      tpu.vector_store %arg15[%parallel_loop3A_99, %parallel_loop3A_100], %parallel_loop3A_97 {strides = array<i32>} : memref<8x4096xf32, #tpu.memory_space<vmem>>, vector<16xf32>,
      %parallel_loop3A_102 = arith.constant 6.144000e+03 : f32
      %parallel_loop3A_103 = vector.broadcast %parallel_loop3A_102 : f32 to vector<16xf32>
      %parallel_loop3A_104 = arith.addf %get3A_19, %parallel_loop3A_103 : vector<16xf32>
      %parallel_loop3A_105 = arith.constant 3 : i32
      %parallel_loop3A_106 = arith.index_cast %parallel_loop3A_105 : i32 to index
      %parallel_loop3A_107 = arith.index_cast %parallel_loop3A_44 : i32 to index
      %parallel_loop3A_108 = tpu.vector_load %arg12[%parallel_loop3A_106, %parallel_loop3A_107] {strides = array<i32>} : memref<8x4096xf32, #tpu.memory_space<vmem>>, vector<16xf32>,
      %parallel_loop3A_109 = arith.mulf %parallel_loop3A_108, %get3A_3 : vector<16xf32>
      %parallel_loop3A_110 = arith.addf %parallel_loop3A_104, %parallel_loop3A_109 : vector<16xf32>
      %parallel_loop3A_111 = arith.constant 3 : i32
      %parallel_loop3A_112 = arith.index_cast %parallel_loop3A_111 : i32 to index
      %parallel_loop3A_113 = arith.index_cast %parallel_loop3A_44 : i32 to index
      %parallel_loop3A_114 = tpu.vector_load %arg12[%parallel_loop3A_112, %parallel_loop3A_113] {strides = array<i32>} : memref<8x4096xf32, #tpu.memory_space<vmem>>, vector<16xf32>,
      tpu.vector_store %arg12[%parallel_loop3A_112, %parallel_loop3A_113], %parallel_loop3A_110 {strides = array<i32>} : memref<8x4096xf32, #tpu.memory_space<vmem>>, vector<16xf32>,
      %parallel_loop3A_115 = arith.constant 0.000000e+00 : f32
      %parallel_loop3A_116 = vector.broadcast %parallel_loop3A_115 : f32 to vector<16xf32>
      %parallel_loop3A_117 = arith.constant 3 : i32
      %parallel_loop3A_118 = arith.index_cast %parallel_loop3A_117 : i32 to index
      %parallel_loop3A_119 = arith.index_cast %parallel_loop3A_44 : i32 to index
      %parallel_loop3A_120 = tpu.vector_load %arg15[%parallel_loop3A_118, %parallel_loop3A_119] {strides = array<i32>} : memref<8x4096xf32, #tpu.memory_space<vmem>>, vector<16xf32>,
      tpu.vector_store %arg15[%parallel_loop3A_118, %parallel_loop3A_119], %parallel_loop3A_116 {strides = array<i32>} : memref<8x4096xf32, #tpu.memory_space<vmem>>, vector<16xf32>,
      %parallel_loop3A_121 = arith.constant 8.192000e+03 : f32
      %parallel_loop3A_122 = vector.broadcast %parallel_loop3A_121 : f32 to vector<16xf32>
      %parallel_loop3A_123 = arith.addf %get3A_23, %parallel_loop3A_122 : vector<16xf32>
      %parallel_loop3A_124 = arith.constant 4 : i32
      %parallel_loop3A_125 = arith.index_cast %parallel_loop3A_124 : i32 to index
      %parallel_loop3A_126 = arith.index_cast %parallel_loop3A_44 : i32 to index
      %parallel_loop3A_127 = tpu.vector_load %arg12[%parallel_loop3A_125, %parallel_loop3A_126] {strides = array<i32>} : memref<8x4096xf32, #tpu.memory_space<vmem>>, vector<16xf32>,
      %parallel_loop3A_128 = arith.mulf %parallel_loop3A_127, %get3A_3 : vector<16xf32>
      %parallel_loop3A_129 = arith.addf %parallel_loop3A_123, %parallel_loop3A_128 : vector<16xf32>
      %parallel_loop3A_130 = arith.constant 4 : i32
      %parallel_loop3A_131 = arith.index_cast %parallel_loop3A_130 : i32 to index
      %parallel_loop3A_132 = arith.index_cast %parallel_loop3A_44 : i32 to index
      %parallel_loop3A_133 = tpu.vector_load %arg12[%parallel_loop3A_131, %parallel_loop3A_132] {strides = array<i32>} : memref<8x4096xf32, #tpu.memory_space<vmem>>, vector<16xf32>,
      tpu.vector_store %arg12[%parallel_loop3A_131, %parallel_loop3A_132], %parallel_loop3A_129 {strides = array<i32>} : memref<8x4096xf32, #tpu.memory_space<vmem>>, vector<16xf32>,
      %parallel_loop3A_134 = arith.constant 0.000000e+00 : f32
      %parallel_loop3A_135 = vector.broadcast %parallel_loop3A_134 : f32 to vector<16xf32>
      %parallel_loop3A_136 = arith.constant 4 : i32
      %parallel_loop3A_137 = arith.index_cast %parallel_loop3A_136 : i32 to index
      %parallel_loop3A_138 = arith.index_cast %parallel_loop3A_44 : i32 to index
      %parallel_loop3A_139 = tpu.vector_load %arg15[%parallel_loop3A_137, %parallel_loop3A_138] {strides = array<i32>} : memref<8x4096xf32, #tpu.memory_space<vmem>>, vector<16xf32>,
      tpu.vector_store %arg15[%parallel_loop3A_137, %parallel_loop3A_138], %parallel_loop3A_135 {strides = array<i32>} : memref<8x4096xf32, #tpu.memory_space<vmem>>, vector<16xf32>,
      %parallel_loop3A_140 = arith.constant 1.024000e+04 : f32
      %parallel_loop3A_141 = vector.broadcast %parallel_loop3A_140 : f32 to vector<16xf32>
      %parallel_loop3A_142 = arith.addf %get3A_27, %parallel_loop3A_141 : vector<16xf32>
      %parallel_loop3A_143 = arith.constant 5 : i32
      %parallel_loop3A_144 = arith.index_cast %parallel_loop3A_143 : i32 to index
      %parallel_loop3A_145 = arith.index_cast %parallel_loop3A_44 : i32 to index
      %parallel_loop3A_146 = tpu.vector_load %arg12[%parallel_loop3A_144, %parallel_loop3A_145] {strides = array<i32>} : memref<8x4096xf32, #tpu.memory_space<vmem>>, vector<16xf32>,
      %parallel_loop3A_147 = arith.mulf %parallel_loop3A_146, %get3A_3 : vector<16xf32>
      %parallel_loop3A_148 = arith.addf %parallel_loop3A_142, %parallel_loop3A_147 : vector<16xf32>
      %parallel_loop3A_149 = arith.constant 5 : i32
      %parallel_loop3A_150 = arith.index_cast %parallel_loop3A_149 : i32 to index
      %parallel_loop3A_151 = arith.index_cast %parallel_loop3A_44 : i32 to index
      %parallel_loop3A_152 = tpu.vector_load %arg12[%parallel_loop3A_150, %parallel_loop3A_151] {strides = array<i32>} : memref<8x4096xf32, #tpu.memory_space<vmem>>, vector<16xf32>,
      tpu.vector_store %arg12[%parallel_loop3A_150, %parallel_loop3A_151], %parallel_loop3A_148 {strides = array<i32>} : memref<8x4096xf32, #tpu.memory_space<vmem>>, vector<16xf32>,
      %parallel_loop3A_153 = arith.constant 0.000000e+00 : f32
      %parallel_loop3A_154 = vector.broadcast %parallel_loop3A_153 : f32 to vector<16xf32>
      %parallel_loop3A_155 = arith.constant 5 : i32
      %parallel_loop3A_156 = arith.index_cast %parallel_loop3A_155 : i32 to index
      %parallel_loop3A_157 = arith.index_cast %parallel_loop3A_44 : i32 to index
      %parallel_loop3A_158 = tpu.vector_load %arg15[%parallel_loop3A_156, %parallel_loop3A_157] {strides = array<i32>} : memref<8x4096xf32, #tpu.memory_space<vmem>>, vector<16xf32>,
      tpu.vector_store %arg15[%parallel_loop3A_156, %parallel_loop3A_157], %parallel_loop3A_154 {strides = array<i32>} : memref<8x4096xf32, #tpu.memory_space<vmem>>, vector<16xf32>,
      %parallel_loop3A_159 = arith.constant 1.228800e+04 : f32
      %parallel_loop3A_160 = vector.broadcast %parallel_loop3A_159 : f32 to vector<16xf32>
      %parallel_loop3A_161 = arith.addf %get3A_31, %parallel_loop3A_160 : vector<16xf32>
      %parallel_loop3A_162 = arith.constant 6 : i32
      %parallel_loop3A_163 = arith.index_cast %parallel_loop3A_162 : i32 to index
      %parallel_loop3A_164 = arith.index_cast %parallel_loop3A_44 : i32 to index
      %parallel_loop3A_165 = tpu.vector_load %arg12[%parallel_loop3A_163, %parallel_loop3A_164] {strides = array<i32>} : memref<8x4096xf32, #tpu.memory_space<vmem>>, vector<16xf32>,
      %parallel_loop3A_166 = arith.mulf %parallel_loop3A_165, %get3A_3 : vector<16xf32>
      %parallel_loop3A_167 = arith.addf %parallel_loop3A_161, %parallel_loop3A_166 : vector<16xf32>
      %parallel_loop3A_168 = arith.constant 6 : i32
      %parallel_loop3A_169 = arith.index_cast %parallel_loop3A_168 : i32 to index
      %parallel_loop3A_170 = arith.index_cast %parallel_loop3A_44 : i32 to index
      %parallel_loop3A_171 = tpu.vector_load %arg12[%parallel_loop3A_169, %parallel_loop3A_170] {strides = array<i32>} : memref<8x4096xf32, #tpu.memory_space<vmem>>, vector<16xf32>,
      tpu.vector_store %arg12[%parallel_loop3A_169, %parallel_loop3A_170], %parallel_loop3A_167 {strides = array<i32>} : memref<8x4096xf32, #tpu.memory_space<vmem>>, vector<16xf32>,
      %parallel_loop3A_172 = arith.constant 0.000000e+00 : f32
      %parallel_loop3A_173 = vector.broadcast %parallel_loop3A_172 : f32 to vector<16xf32>
      %parallel_loop3A_174 = arith.constant 6 : i32
      %parallel_loop3A_175 = arith.index_cast %parallel_loop3A_174 : i32 to index
      %parallel_loop3A_176 = arith.index_cast %parallel_loop3A_44 : i32 to index
      %parallel_loop3A_177 = tpu.vector_load %arg15[%parallel_loop3A_175, %parallel_loop3A_176] {strides = array<i32>} : memref<8x4096xf32, #tpu.memory_space<vmem>>, vector<16xf32>,
      tpu.vector_store %arg15[%parallel_loop3A_175, %parallel_loop3A_176], %parallel_loop3A_173 {strides = array<i32>} : memref<8x4096xf32, #tpu.memory_space<vmem>>, vector<16xf32>,
      %parallel_loop3A_178 = arith.constant 1.433600e+04 : f32
      %parallel_loop3A_179 = vector.broadcast %parallel_loop3A_178 : f32 to vector<16xf32>
      %parallel_loop3A_180 = arith.addf %get3A_35, %parallel_loop3A_179 : vector<16xf32>
      %parallel_loop3A_181 = arith.constant 7 : i32
      %parallel_loop3A_182 = arith.index_cast %parallel_loop3A_181 : i32 to index
      %parallel_loop3A_183 = arith.index_cast %parallel_loop3A_44 : i32 to index
      %parallel_loop3A_184 = tpu.vector_load %arg12[%parallel_loop3A_182, %parallel_loop3A_183] {strides = array<i32>} : memref<8x4096xf32, #tpu.memory_space<vmem>>, vector<16xf32>,
      %parallel_loop3A_185 = arith.mulf %parallel_loop3A_184, %get3A_3 : vector<16xf32>
      %parallel_loop3A_186 = arith.addf %parallel_loop3A_180, %parallel_loop3A_185 : vector<16xf32>
      %parallel_loop3A_187 = arith.constant 7 : i32
      %parallel_loop3A_188 = arith.index_cast %parallel_loop3A_187 : i32 to index
      %parallel_loop3A_189 = arith.index_cast %parallel_loop3A_44 : i32 to index
      %parallel_loop3A_190 = tpu.vector_load %arg12[%parallel_loop3A_188, %parallel_loop3A_189] {strides = array<i32>} : memref<8x4096xf32, #tpu.memory_space<vmem>>, vector<16xf32>,
      tpu.vector_store %arg12[%parallel_loop3A_188, %parallel_loop3A_189], %parallel_loop3A_186 {strides = array<i32>} : memref<8x4096xf32, #tpu.memory_space<vmem>>, vector<16xf32>,
      %parallel_loop3A_191 = arith.constant 0.000000e+00 : f32
      %parallel_loop3A_192 = vector.broadcast %parallel_loop3A_191 : f32 to vector<16xf32>
      %parallel_loop3A_193 = arith.constant 7 : i32
      %parallel_loop3A_194 = arith.index_cast %parallel_loop3A_193 : i32 to index
      %parallel_loop3A_195 = arith.index_cast %parallel_loop3A_44 : i32 to index
      %parallel_loop3A_196 = tpu.vector_load %arg15[%parallel_loop3A_194, %parallel_loop3A_195] {strides = array<i32>} : memref<8x4096xf32, #tpu.memory_space<vmem>>, vector<16xf32>,
      tpu.vector_store %arg15[%parallel_loop3A_194, %parallel_loop3A_195], %parallel_loop3A_192 {strides = array<i32>} : memref<8x4096xf32, #tpu.memory_space<vmem>>, vector<16xf32>,
    } {sc.loop_unroll_factor = 1 : i64, sc.parallel_access}
    %scan3A = arith.constant 0 : i32
    %scan3A_38 = arith.constant 64 : i32
    %scan3A_39 = arith.addi %scan3A, %scan3A_38 : i32
    %scan3A_40 = arith.constant 1 : i32
    scf.for %scan3A_42 = %scan3A to %scan3A_39 step %scan3A_40  : i32 {
      %mul3A_43 = arith.constant 32768 : i32
      %mul3A_44 = arith.muli %scan3A_42, %mul3A_43 : i32
      "tpu.region"() ({
        %run_scoped3A = tpu.sem_alloc : memref<!tpu.dma_semaphore, #tpu.memory_space<semaphore_mem>>
        %dma_start3A = tpu.memref_slice %arg2[%mul3A_44] : memref<2097152xf32, #tpu.memory_space<hbm>> -> memref<32768xf32, #tpu.memory_space<hbm>>
        %dma_start3A_52 = tpu.memref_slice %arg2[%mul3A_44] : memref<2097152xf32, #tpu.memory_space<hbm>> -> memref<32768xf32, #tpu.memory_space<hbm>>
        tpu.enqueue_dma source(%dma_start3A_52 : memref<32768xf32, #tpu.memory_space<hbm>>) target(%arg9 : memref<32768xf32, #tpu.memory_space<vmem>>) target_semaphore(%run_scoped3A : memref<!tpu.dma_semaphore, #tpu.memory_space<semaphore_mem>>)
        %dma_wait3A = tpu.memref_slice %arg2[%mul3A_44] : memref<2097152xf32, #tpu.memory_space<hbm>> -> memref<32768xf32, #tpu.memory_space<hbm>>
        %dma_wait3A_53 = tpu.memref_slice %arg2[%mul3A_44] : memref<2097152xf32, #tpu.memory_space<hbm>> -> memref<32768xf32, #tpu.memory_space<hbm>>
        tpu.wait_dma2 semaphore(%run_scoped3A : memref<!tpu.dma_semaphore, #tpu.memory_space<semaphore_mem>>) src(%dma_wait3A_53 : memref<32768xf32, #tpu.memory_space<hbm>>) dst(%arg9 : memref<32768xf32, #tpu.memory_space<vmem>>)
        tpu.yield
      }) : () -> ()
      %mul3A_45 = arith.constant 2 : i32
      %mul3A_46 = arith.muli %scan3A_42, %mul3A_45 : i32
      "tpu.region"() ({
        %run_scoped3A = tpu.sem_alloc : memref<!tpu.dma_semaphore, #tpu.memory_space<semaphore_mem>>
        %dma_start3A = tpu.memref_slice %arg6[%mul3A_46, %mul3A_2] : memref<128x131072xf32, #tpu.memory_space<hbm>> -> memref<2x4096xf32, #tpu.memory_space<hbm>>
        %dma_start3A_52 = tpu.memref_slice %arg6[%mul3A_46, %mul3A_2] : memref<128x131072xf32, #tpu.memory_space<hbm>> -> memref<2x4096xf32, #tpu.memory_space<hbm>>
        tpu.enqueue_dma source(%dma_start3A_52 : memref<2x4096xf32, #tpu.memory_space<hbm>>) target(%arg13 : memref<2x4096xf32, #tpu.memory_space<vmem>>) target_semaphore(%run_scoped3A : memref<!tpu.dma_semaphore, #tpu.memory_space<semaphore_mem>>)
        %dma_wait3A = tpu.memref_slice %arg6[%mul3A_46, %mul3A_2] : memref<128x131072xf32, #tpu.memory_space<hbm>> -> memref<2x4096xf32, #tpu.memory_space<hbm>>
        %dma_wait3A_53 = tpu.memref_slice %arg6[%mul3A_46, %mul3A_2] : memref<128x131072xf32, #tpu.memory_space<hbm>> -> memref<2x4096xf32, #tpu.memory_space<hbm>>
        tpu.wait_dma2 semaphore(%run_scoped3A : memref<!tpu.dma_semaphore, #tpu.memory_space<semaphore_mem>>) src(%dma_wait3A_53 : memref<2x4096xf32, #tpu.memory_space<hbm>>) dst(%arg13 : memref<2x4096xf32, #tpu.memory_space<vmem>>)
        tpu.yield
      }) : () -> ()
      %mul3A_47 = arith.constant 2 : i32
      %mul3A_48 = arith.muli %scan3A_42, %mul3A_47 : i32
      "tpu.region"() ({
        %run_scoped3A = tpu.sem_alloc : memref<!tpu.dma_semaphore, #tpu.memory_space<semaphore_mem>>
        %dma_start3A = tpu.memref_slice %arg7[%mul3A_48, %mul3A_2] : memref<128x131072xf32, #tpu.memory_space<hbm>> -> memref<2x4096xf32, #tpu.memory_space<hbm>>
        %dma_start3A_52 = tpu.memref_slice %arg7[%mul3A_48, %mul3A_2] : memref<128x131072xf32, #tpu.memory_space<hbm>> -> memref<2x4096xf32, #tpu.memory_space<hbm>>
        tpu.enqueue_dma source(%dma_start3A_52 : memref<2x4096xf32, #tpu.memory_space<hbm>>) target(%arg14 : memref<2x4096xf32, #tpu.memory_space<vmem>>) target_semaphore(%run_scoped3A : memref<!tpu.dma_semaphore, #tpu.memory_space<semaphore_mem>>)
        %dma_wait3A = tpu.memref_slice %arg7[%mul3A_48, %mul3A_2] : memref<128x131072xf32, #tpu.memory_space<hbm>> -> memref<2x4096xf32, #tpu.memory_space<hbm>>
        %dma_wait3A_53 = tpu.memref_slice %arg7[%mul3A_48, %mul3A_2] : memref<128x131072xf32, #tpu.memory_space<hbm>> -> memref<2x4096xf32, #tpu.memory_space<hbm>>
        tpu.wait_dma2 semaphore(%run_scoped3A : memref<!tpu.dma_semaphore, #tpu.memory_space<semaphore_mem>>) src(%dma_wait3A_53 : memref<2x4096xf32, #tpu.memory_space<hbm>>) dst(%arg14 : memref<2x4096xf32, #tpu.memory_space<vmem>>)
        tpu.yield
      }) : () -> ()
      %parallel_loop3A_49 = arith.constant 0 : i32
      %parallel_loop3A_50 = arith.constant 256 : i32
      %parallel_loop3A_51 = arith.constant 1 : i32
      scf.for %parallel_loop3A_52 = %parallel_loop3A_49 to %parallel_loop3A_50 step %parallel_loop3A_51  : i32 {
        %parallel_loop3A_53 = arith.constant 16 : i32
        %parallel_loop3A_54 = arith.muli %parallel_loop3A_52, %parallel_loop3A_53 : i32
        %parallel_loop3A_55 = arith.constant 0 : i32
        %parallel_loop3A_56 = arith.index_cast %parallel_loop3A_55 : i32 to index
        %parallel_loop3A_57 = arith.index_cast %parallel_loop3A_54 : i32 to index
        %parallel_loop3A_58 = tpu.vector_load %arg13[%parallel_loop3A_56, %parallel_loop3A_57] {strides = array<i32>} : memref<2x4096xf32, #tpu.memory_space<vmem>>, vector<16xf32>,
        %parallel_loop3A_59 = arith.mulf %parallel_loop3A_58, %get3A_3 : vector<16xf32>
        %parallel_loop3A_60 = arith.constant 1 : i32
        %parallel_loop3A_61 = arith.index_cast %parallel_loop3A_60 : i32 to index
        %parallel_loop3A_62 = arith.index_cast %parallel_loop3A_54 : i32 to index
        %parallel_loop3A_63 = tpu.vector_load %arg13[%parallel_loop3A_61, %parallel_loop3A_62] {strides = array<i32>} : memref<2x4096xf32, #tpu.memory_space<vmem>>, vector<16xf32>,
        %parallel_loop3A_64 = arith.mulf %parallel_loop3A_63, %get3A_3 : vector<16xf32>
        %parallel_loop3A_65 = arith.constant 0 : i32
        %parallel_loop3A_66 = arith.index_cast %parallel_loop3A_65 : i32 to index
        %parallel_loop3A_67 = arith.index_cast %parallel_loop3A_54 : i32 to index
        %parallel_loop3A_68 = tpu.vector_load %arg14[%parallel_loop3A_66, %parallel_loop3A_67] {strides = array<i32>} : memref<2x4096xf32, #tpu.memory_space<vmem>>, vector<16xf32>,
        %parallel_loop3A_69 = arith.constant 1 : i32
        %parallel_loop3A_70 = arith.index_cast %parallel_loop3A_69 : i32 to index
        %parallel_loop3A_71 = arith.index_cast %parallel_loop3A_54 : i32 to index
        %parallel_loop3A_72 = tpu.vector_load %arg14[%parallel_loop3A_70, %parallel_loop3A_71] {strides = array<i32>} : memref<2x4096xf32, #tpu.memory_space<vmem>>, vector<16xf32>,
        %parallel_loop3A_73 = arith.constant 0 : i32
        %parallel_loop3A_74 = arith.index_cast %parallel_loop3A_73 : i32 to index
        %parallel_loop3A_75 = arith.index_cast %parallel_loop3A_54 : i32 to index
        %parallel_loop3A_76 = tpu.vector_load %arg12[%parallel_loop3A_74, %parallel_loop3A_75] {strides = array<i32>} : memref<8x4096xf32, #tpu.memory_space<vmem>>, vector<16xf32>,
        %parallel_loop3A_77 = arith.constant 0 : i32
        %parallel_loop3A_78 = arith.index_cast %parallel_loop3A_77 : i32 to index
        %parallel_loop3A_79 = arith.index_cast %parallel_loop3A_54 : i32 to index
        %parallel_loop3A_80 = tpu.vector_load %arg15[%parallel_loop3A_78, %parallel_loop3A_79] {strides = array<i32>} : memref<8x4096xf32, #tpu.memory_space<vmem>>, vector<16xf32>,
        %parallel_loop3A_81 = arith.addf %parallel_loop3A_76, %parallel_loop3A_59 : vector<16xf32>
        %parallel_loop3A_82 = arith.fptosi %parallel_loop3A_81 : vector<16xf32> to vector<16xi32>
        %parallel_loop3A_83 = arith.sitofp %parallel_loop3A_82 : vector<16xi32> to vector<16xf32>
        %parallel_loop3A_84 = arith.subf %parallel_loop3A_81, %parallel_loop3A_83 : vector<16xf32>
        %parallel_loop3A_85 = arith.constant 0 : i32
        %parallel_loop3A_86 = vector.broadcast %parallel_loop3A_85 : i32 to vector<16xi32>
        %parallel_loop3A_87 = arith.addi %parallel_loop3A_82, %parallel_loop3A_86 : vector<16xi32>
        %parallel_loop3A_88 = tpu.vector_load_idx %arg9[%parallel_loop3A_87] : memref<32768xf32, #tpu.memory_space<vmem>>[vector<16xi32>], vector<16xf32>,
        %parallel_loop3A_89 = arith.constant 1 : i32
        %parallel_loop3A_90 = vector.broadcast %parallel_loop3A_89 : i32 to vector<16xi32>
        %parallel_loop3A_91 = arith.addi %parallel_loop3A_87, %parallel_loop3A_90 : vector<16xi32>
        %parallel_loop3A_92 = tpu.vector_load_idx %arg9[%parallel_loop3A_91] : memref<32768xf32, #tpu.memory_space<vmem>>[vector<16xi32>], vector<16xf32>,
        %parallel_loop3A_93 = arith.subf %parallel_loop3A_92, %parallel_loop3A_88 : vector<16xf32>
        %parallel_loop3A_94 = arith.mulf %parallel_loop3A_84, %parallel_loop3A_93 : vector<16xf32>
        %parallel_loop3A_95 = arith.addf %parallel_loop3A_88, %parallel_loop3A_94 : vector<16xf32>
        %parallel_loop3A_96 = arith.mulf %parallel_loop3A_95, %parallel_loop3A_68 : vector<16xf32>
        %parallel_loop3A_97 = arith.addf %parallel_loop3A_80, %parallel_loop3A_96 : vector<16xf32>
        %parallel_loop3A_98 = arith.addf %parallel_loop3A_76, %parallel_loop3A_64 : vector<16xf32>
        %parallel_loop3A_99 = arith.fptosi %parallel_loop3A_98 : vector<16xf32> to vector<16xi32>
        %parallel_loop3A_100 = arith.sitofp %parallel_loop3A_99 : vector<16xi32> to vector<16xf32>
        %parallel_loop3A_101 = arith.subf %parallel_loop3A_98, %parallel_loop3A_100 : vector<16xf32>
        %parallel_loop3A_102 = arith.constant 16384 : i32
        %parallel_loop3A_103 = vector.broadcast %parallel_loop3A_102 : i32 to vector<16xi32>
        %parallel_loop3A_104 = arith.addi %parallel_loop3A_99, %parallel_loop3A_103 : vector<16xi32>
        %parallel_loop3A_105 = tpu.vector_load_idx %arg9[%parallel_loop3A_104] : memref<32768xf32, #tpu.memory_space<vmem>>[vector<16xi32>], vector<16xf32>,
        %parallel_loop3A_106 = arith.constant 1 : i32
        %parallel_loop3A_107 = vector.broadcast %parallel_loop3A_106 : i32 to vector<16xi32>
        %parallel_loop3A_108 = arith.addi %parallel_loop3A_104, %parallel_loop3A_107 : vector<16xi32>
        %parallel_loop3A_109 = tpu.vector_load_idx %arg9[%parallel_loop3A_108] : memref<32768xf32, #tpu.memory_space<vmem>>[vector<16xi32>], vector<16xf32>,
        %parallel_loop3A_110 = arith.subf %parallel_loop3A_109, %parallel_loop3A_105 : vector<16xf32>
        %parallel_loop3A_111 = arith.mulf %parallel_loop3A_101, %parallel_loop3A_110 : vector<16xf32>
        %parallel_loop3A_112 = arith.addf %parallel_loop3A_105, %parallel_loop3A_111 : vector<16xf32>
        %parallel_loop3A_113 = arith.mulf %parallel_loop3A_112, %parallel_loop3A_72 : vector<16xf32>
        %parallel_loop3A_114 = arith.addf %parallel_loop3A_97, %parallel_loop3A_113 : vector<16xf32>
        %parallel_loop3A_115 = arith.constant 0 : i32
        %parallel_loop3A_116 = arith.index_cast %parallel_loop3A_115 : i32 to index
        %parallel_loop3A_117 = arith.index_cast %parallel_loop3A_54 : i32 to index
        %parallel_loop3A_118 = tpu.vector_load %arg15[%parallel_loop3A_116, %parallel_loop3A_117] {strides = array<i32>} : memref<8x4096xf32, #tpu.memory_space<vmem>>, vector<16xf32>,
        tpu.vector_store %arg15[%parallel_loop3A_116, %parallel_loop3A_117], %parallel_loop3A_114 {strides = array<i32>} : memref<8x4096xf32, #tpu.memory_space<vmem>>, vector<16xf32>,
        %parallel_loop3A_119 = arith.constant 1 : i32
        %parallel_loop3A_120 = arith.index_cast %parallel_loop3A_119 : i32 to index
        %parallel_loop3A_121 = arith.index_cast %parallel_loop3A_54 : i32 to index
        %parallel_loop3A_122 = tpu.vector_load %arg12[%parallel_loop3A_120, %parallel_loop3A_121] {strides = array<i32>} : memref<8x4096xf32, #tpu.memory_space<vmem>>, vector<16xf32>,
        %parallel_loop3A_123 = arith.constant 1 : i32
        %parallel_loop3A_124 = arith.index_cast %parallel_loop3A_123 : i32 to index
        %parallel_loop3A_125 = arith.index_cast %parallel_loop3A_54 : i32 to index
        %parallel_loop3A_126 = tpu.vector_load %arg15[%parallel_loop3A_124, %parallel_loop3A_125] {strides = array<i32>} : memref<8x4096xf32, #tpu.memory_space<vmem>>, vector<16xf32>,
        %parallel_loop3A_127 = arith.addf %parallel_loop3A_122, %parallel_loop3A_59 : vector<16xf32>
        %parallel_loop3A_128 = arith.fptosi %parallel_loop3A_127 : vector<16xf32> to vector<16xi32>
        %parallel_loop3A_129 = arith.sitofp %parallel_loop3A_128 : vector<16xi32> to vector<16xf32>
        %parallel_loop3A_130 = arith.subf %parallel_loop3A_127, %parallel_loop3A_129 : vector<16xf32>
        %parallel_loop3A_131 = arith.constant 0 : i32
        %parallel_loop3A_132 = vector.broadcast %parallel_loop3A_131 : i32 to vector<16xi32>
        %parallel_loop3A_133 = arith.addi %parallel_loop3A_128, %parallel_loop3A_132 : vector<16xi32>
        %parallel_loop3A_134 = tpu.vector_load_idx %arg9[%parallel_loop3A_133] : memref<32768xf32, #tpu.memory_space<vmem>>[vector<16xi32>], vector<16xf32>,
        %parallel_loop3A_135 = arith.constant 1 : i32
        %parallel_loop3A_136 = vector.broadcast %parallel_loop3A_135 : i32 to vector<16xi32>
        %parallel_loop3A_137 = arith.addi %parallel_loop3A_133, %parallel_loop3A_136 : vector<16xi32>
        %parallel_loop3A_138 = tpu.vector_load_idx %arg9[%parallel_loop3A_137] : memref<32768xf32, #tpu.memory_space<vmem>>[vector<16xi32>], vector<16xf32>,
        %parallel_loop3A_139 = arith.subf %parallel_loop3A_138, %parallel_loop3A_134 : vector<16xf32>
        %parallel_loop3A_140 = arith.mulf %parallel_loop3A_130, %parallel_loop3A_139 : vector<16xf32>
        %parallel_loop3A_141 = arith.addf %parallel_loop3A_134, %parallel_loop3A_140 : vector<16xf32>
        %parallel_loop3A_142 = arith.mulf %parallel_loop3A_141, %parallel_loop3A_68 : vector<16xf32>
        %parallel_loop3A_143 = arith.addf %parallel_loop3A_126, %parallel_loop3A_142 : vector<16xf32>
        %parallel_loop3A_144 = arith.addf %parallel_loop3A_122, %parallel_loop3A_64 : vector<16xf32>
        %parallel_loop3A_145 = arith.fptosi %parallel_loop3A_144 : vector<16xf32> to vector<16xi32>
        %parallel_loop3A_146 = arith.sitofp %parallel_loop3A_145 : vector<16xi32> to vector<16xf32>
        %parallel_loop3A_147 = arith.subf %parallel_loop3A_144, %parallel_loop3A_146 : vector<16xf32>
        %parallel_loop3A_148 = arith.constant 16384 : i32
        %parallel_loop3A_149 = vector.broadcast %parallel_loop3A_148 : i32 to vector<16xi32>
        %parallel_loop3A_150 = arith.addi %parallel_loop3A_145, %parallel_loop3A_149 : vector<16xi32>
        %parallel_loop3A_151 = tpu.vector_load_idx %arg9[%parallel_loop3A_150] : memref<32768xf32, #tpu.memory_space<vmem>>[vector<16xi32>], vector<16xf32>,
        %parallel_loop3A_152 = arith.constant 1 : i32
        %parallel_loop3A_153 = vector.broadcast %parallel_loop3A_152 : i32 to vector<16xi32>
        %parallel_loop3A_154 = arith.addi %parallel_loop3A_150, %parallel_loop3A_153 : vector<16xi32>
        %parallel_loop3A_155 = tpu.vector_load_idx %arg9[%parallel_loop3A_154] : memref<32768xf32, #tpu.memory_space<vmem>>[vector<16xi32>], vector<16xf32>,
        %parallel_loop3A_156 = arith.subf %parallel_loop3A_155, %parallel_loop3A_151 : vector<16xf32>
        %parallel_loop3A_157 = arith.mulf %parallel_loop3A_147, %parallel_loop3A_156 : vector<16xf32>
        %parallel_loop3A_158 = arith.addf %parallel_loop3A_151, %parallel_loop3A_157 : vector<16xf32>
        %parallel_loop3A_159 = arith.mulf %parallel_loop3A_158, %parallel_loop3A_72 : vector<16xf32>
        %parallel_loop3A_160 = arith.addf %parallel_loop3A_143, %parallel_loop3A_159 : vector<16xf32>
        %parallel_loop3A_161 = arith.constant 1 : i32
        %parallel_loop3A_162 = arith.index_cast %parallel_loop3A_161 : i32 to index
        %parallel_loop3A_163 = arith.index_cast %parallel_loop3A_54 : i32 to index
        %parallel_loop3A_164 = tpu.vector_load %arg15[%parallel_loop3A_162, %parallel_loop3A_163] {strides = array<i32>} : memref<8x4096xf32, #tpu.memory_space<vmem>>, vector<16xf32>,
        tpu.vector_store %arg15[%parallel_loop3A_162, %parallel_loop3A_163], %parallel_loop3A_160 {strides = array<i32>} : memref<8x4096xf32, #tpu.memory_space<vmem>>, vector<16xf32>,
        %parallel_loop3A_165 = arith.constant 2 : i32
        %parallel_loop3A_166 = arith.index_cast %parallel_loop3A_165 : i32 to index
        %parallel_loop3A_167 = arith.index_cast %parallel_loop3A_54 : i32 to index
        %parallel_loop3A_168 = tpu.vector_load %arg12[%parallel_loop3A_166, %parallel_loop3A_167] {strides = array<i32>} : memref<8x4096xf32, #tpu.memory_space<vmem>>, vector<16xf32>,
        %parallel_loop3A_169 = arith.constant 2 : i32
        %parallel_loop3A_170 = arith.index_cast %parallel_loop3A_169 : i32 to index
        %parallel_loop3A_171 = arith.index_cast %parallel_loop3A_54 : i32 to index
        %parallel_loop3A_172 = tpu.vector_load %arg15[%parallel_loop3A_170, %parallel_loop3A_171] {strides = array<i32>} : memref<8x4096xf32, #tpu.memory_space<vmem>>, vector<16xf32>,
        %parallel_loop3A_173 = arith.addf %parallel_loop3A_168, %parallel_loop3A_59 : vector<16xf32>
        %parallel_loop3A_174 = arith.fptosi %parallel_loop3A_173 : vector<16xf32> to vector<16xi32>
        %parallel_loop3A_175 = arith.sitofp %parallel_loop3A_174 : vector<16xi32> to vector<16xf32>
        %parallel_loop3A_176 = arith.subf %parallel_loop3A_173, %parallel_loop3A_175 : vector<16xf32>
        %parallel_loop3A_177 = arith.constant 0 : i32
        %parallel_loop3A_178 = vector.broadcast %parallel_loop3A_177 : i32 to vector<16xi32>
        %parallel_loop3A_179 = arith.addi %parallel_loop3A_174, %parallel_loop3A_178 : vector<16xi32>
        %parallel_loop3A_180 = tpu.vector_load_idx %arg9[%parallel_loop3A_179] : memref<32768xf32, #tpu.memory_space<vmem>>[vector<16xi32>], vector<16xf32>,
        %parallel_loop3A_181 = arith.constant 1 : i32
        %parallel_loop3A_182 = vector.broadcast %parallel_loop3A_181 : i32 to vector<16xi32>
        %parallel_loop3A_183 = arith.addi %parallel_loop3A_179, %parallel_loop3A_182 : vector<16xi32>
        %parallel_loop3A_184 = tpu.vector_load_idx %arg9[%parallel_loop3A_183] : memref<32768xf32, #tpu.memory_space<vmem>>[vector<16xi32>], vector<16xf32>,
        %parallel_loop3A_185 = arith.subf %parallel_loop3A_184, %parallel_loop3A_180 : vector<16xf32>
        %parallel_loop3A_186 = arith.mulf %parallel_loop3A_176, %parallel_loop3A_185 : vector<16xf32>
        %parallel_loop3A_187 = arith.addf %parallel_loop3A_180, %parallel_loop3A_186 : vector<16xf32>
        %parallel_loop3A_188 = arith.mulf %parallel_loop3A_187, %parallel_loop3A_68 : vector<16xf32>
        %parallel_loop3A_189 = arith.addf %parallel_loop3A_172, %parallel_loop3A_188 : vector<16xf32>
        %parallel_loop3A_190 = arith.addf %parallel_loop3A_168, %parallel_loop3A_64 : vector<16xf32>
        %parallel_loop3A_191 = arith.fptosi %parallel_loop3A_190 : vector<16xf32> to vector<16xi32>
        %parallel_loop3A_192 = arith.sitofp %parallel_loop3A_191 : vector<16xi32> to vector<16xf32>
        %parallel_loop3A_193 = arith.subf %parallel_loop3A_190, %parallel_loop3A_192 : vector<16xf32>
        %parallel_loop3A_194 = arith.constant 16384 : i32
        %parallel_loop3A_195 = vector.broadcast %parallel_loop3A_194 : i32 to vector<16xi32>
        %parallel_loop3A_196 = arith.addi %parallel_loop3A_191, %parallel_loop3A_195 : vector<16xi32>
        %parallel_loop3A_197 = tpu.vector_load_idx %arg9[%parallel_loop3A_196] : memref<32768xf32, #tpu.memory_space<vmem>>[vector<16xi32>], vector<16xf32>,
        %parallel_loop3A_198 = arith.constant 1 : i32
        %parallel_loop3A_199 = vector.broadcast %parallel_loop3A_198 : i32 to vector<16xi32>
        %parallel_loop3A_200 = arith.addi %parallel_loop3A_196, %parallel_loop3A_199 : vector<16xi32>
        %parallel_loop3A_201 = tpu.vector_load_idx %arg9[%parallel_loop3A_200] : memref<32768xf32, #tpu.memory_space<vmem>>[vector<16xi32>], vector<16xf32>,
        %parallel_loop3A_202 = arith.subf %parallel_loop3A_201, %parallel_loop3A_197 : vector<16xf32>
        %parallel_loop3A_203 = arith.mulf %parallel_loop3A_193, %parallel_loop3A_202 : vector<16xf32>
        %parallel_loop3A_204 = arith.addf %parallel_loop3A_197, %parallel_loop3A_203 : vector<16xf32>
        %parallel_loop3A_205 = arith.mulf %parallel_loop3A_204, %parallel_loop3A_72 : vector<16xf32>
        %parallel_loop3A_206 = arith.addf %parallel_loop3A_189, %parallel_loop3A_205 : vector<16xf32>
        %parallel_loop3A_207 = arith.constant 2 : i32
        %parallel_loop3A_208 = arith.index_cast %parallel_loop3A_207 : i32 to index
        %parallel_loop3A_209 = arith.index_cast %parallel_loop3A_54 : i32 to index
        %parallel_loop3A_210 = tpu.vector_load %arg15[%parallel_loop3A_208, %parallel_loop3A_209] {strides = array<i32>} : memref<8x4096xf32, #tpu.memory_space<vmem>>, vector<16xf32>,
        tpu.vector_store %arg15[%parallel_loop3A_208, %parallel_loop3A_209], %parallel_loop3A_206 {strides = array<i32>} : memref<8x4096xf32, #tpu.memory_space<vmem>>, vector<16xf32>,
        %parallel_loop3A_211 = arith.constant 3 : i32
        %parallel_loop3A_212 = arith.index_cast %parallel_loop3A_211 : i32 to index
        %parallel_loop3A_213 = arith.index_cast %parallel_loop3A_54 : i32 to index
        %parallel_loop3A_214 = tpu.vector_load %arg12[%parallel_loop3A_212, %parallel_loop3A_213] {strides = array<i32>} : memref<8x4096xf32, #tpu.memory_space<vmem>>, vector<16xf32>,
        %parallel_loop3A_215 = arith.constant 3 : i32
        %parallel_loop3A_216 = arith.index_cast %parallel_loop3A_215 : i32 to index
        %parallel_loop3A_217 = arith.index_cast %parallel_loop3A_54 : i32 to index
        %parallel_loop3A_218 = tpu.vector_load %arg15[%parallel_loop3A_216, %parallel_loop3A_217] {strides = array<i32>} : memref<8x4096xf32, #tpu.memory_space<vmem>>, vector<16xf32>,
        %parallel_loop3A_219 = arith.addf %parallel_loop3A_214, %parallel_loop3A_59 : vector<16xf32>
        %parallel_loop3A_220 = arith.fptosi %parallel_loop3A_219 : vector<16xf32> to vector<16xi32>
        %parallel_loop3A_221 = arith.sitofp %parallel_loop3A_220 : vector<16xi32> to vector<16xf32>
        %parallel_loop3A_222 = arith.subf %parallel_loop3A_219, %parallel_loop3A_221 : vector<16xf32>
        %parallel_loop3A_223 = arith.constant 0 : i32
        %parallel_loop3A_224 = vector.broadcast %parallel_loop3A_223 : i32 to vector<16xi32>
        %parallel_loop3A_225 = arith.addi %parallel_loop3A_220, %parallel_loop3A_224 : vector<16xi32>
        %parallel_loop3A_226 = tpu.vector_load_idx %arg9[%parallel_loop3A_225] : memref<32768xf32, #tpu.memory_space<vmem>>[vector<16xi32>], vector<16xf32>,
        %parallel_loop3A_227 = arith.constant 1 : i32
        %parallel_loop3A_228 = vector.broadcast %parallel_loop3A_227 : i32 to vector<16xi32>
        %parallel_loop3A_229 = arith.addi %parallel_loop3A_225, %parallel_loop3A_228 : vector<16xi32>
        %parallel_loop3A_230 = tpu.vector_load_idx %arg9[%parallel_loop3A_229] : memref<32768xf32, #tpu.memory_space<vmem>>[vector<16xi32>], vector<16xf32>,
        %parallel_loop3A_231 = arith.subf %parallel_loop3A_230, %parallel_loop3A_226 : vector<16xf32>
        %parallel_loop3A_232 = arith.mulf %parallel_loop3A_222, %parallel_loop3A_231 : vector<16xf32>
        %parallel_loop3A_233 = arith.addf %parallel_loop3A_226, %parallel_loop3A_232 : vector<16xf32>
        %parallel_loop3A_234 = arith.mulf %parallel_loop3A_233, %parallel_loop3A_68 : vector<16xf32>
        %parallel_loop3A_235 = arith.addf %parallel_loop3A_218, %parallel_loop3A_234 : vector<16xf32>
        %parallel_loop3A_236 = arith.addf %parallel_loop3A_214, %parallel_loop3A_64 : vector<16xf32>
        %parallel_loop3A_237 = arith.fptosi %parallel_loop3A_236 : vector<16xf32> to vector<16xi32>
        %parallel_loop3A_238 = arith.sitofp %parallel_loop3A_237 : vector<16xi32> to vector<16xf32>
        %parallel_loop3A_239 = arith.subf %parallel_loop3A_236, %parallel_loop3A_238 : vector<16xf32>
        %parallel_loop3A_240 = arith.constant 16384 : i32
        %parallel_loop3A_241 = vector.broadcast %parallel_loop3A_240 : i32 to vector<16xi32>
        %parallel_loop3A_242 = arith.addi %parallel_loop3A_237, %parallel_loop3A_241 : vector<16xi32>
        %parallel_loop3A_243 = tpu.vector_load_idx %arg9[%parallel_loop3A_242] : memref<32768xf32, #tpu.memory_space<vmem>>[vector<16xi32>], vector<16xf32>,
        %parallel_loop3A_244 = arith.constant 1 : i32
        %parallel_loop3A_245 = vector.broadcast %parallel_loop3A_244 : i32 to vector<16xi32>
        %parallel_loop3A_246 = arith.addi %parallel_loop3A_242, %parallel_loop3A_245 : vector<16xi32>
        %parallel_loop3A_247 = tpu.vector_load_idx %arg9[%parallel_loop3A_246] : memref<32768xf32, #tpu.memory_space<vmem>>[vector<16xi32>], vector<16xf32>,
        %parallel_loop3A_248 = arith.subf %parallel_loop3A_247, %parallel_loop3A_243 : vector<16xf32>
        %parallel_loop3A_249 = arith.mulf %parallel_loop3A_239, %parallel_loop3A_248 : vector<16xf32>
        %parallel_loop3A_250 = arith.addf %parallel_loop3A_243, %parallel_loop3A_249 : vector<16xf32>
        %parallel_loop3A_251 = arith.mulf %parallel_loop3A_250, %parallel_loop3A_72 : vector<16xf32>
        %parallel_loop3A_252 = arith.addf %parallel_loop3A_235, %parallel_loop3A_251 : vector<16xf32>
        %parallel_loop3A_253 = arith.constant 3 : i32
        %parallel_loop3A_254 = arith.index_cast %parallel_loop3A_253 : i32 to index
        %parallel_loop3A_255 = arith.index_cast %parallel_loop3A_54 : i32 to index
        %parallel_loop3A_256 = tpu.vector_load %arg15[%parallel_loop3A_254, %parallel_loop3A_255] {strides = array<i32>} : memref<8x4096xf32, #tpu.memory_space<vmem>>, vector<16xf32>,
        tpu.vector_store %arg15[%parallel_loop3A_254, %parallel_loop3A_255], %parallel_loop3A_252 {strides = array<i32>} : memref<8x4096xf32, #tpu.memory_space<vmem>>, vector<16xf32>,
        %parallel_loop3A_257 = arith.constant 4 : i32
        %parallel_loop3A_258 = arith.index_cast %parallel_loop3A_257 : i32 to index
        %parallel_loop3A_259 = arith.index_cast %parallel_loop3A_54 : i32 to index
        %parallel_loop3A_260 = tpu.vector_load %arg12[%parallel_loop3A_258, %parallel_loop3A_259] {strides = array<i32>} : memref<8x4096xf32, #tpu.memory_space<vmem>>, vector<16xf32>,
        %parallel_loop3A_261 = arith.constant 4 : i32
        %parallel_loop3A_262 = arith.index_cast %parallel_loop3A_261 : i32 to index
        %parallel_loop3A_263 = arith.index_cast %parallel_loop3A_54 : i32 to index
        %parallel_loop3A_264 = tpu.vector_load %arg15[%parallel_loop3A_262, %parallel_loop3A_263] {strides = array<i32>} : memref<8x4096xf32, #tpu.memory_space<vmem>>, vector<16xf32>,
        %parallel_loop3A_265 = arith.addf %parallel_loop3A_260, %parallel_loop3A_59 : vector<16xf32>
        %parallel_loop3A_266 = arith.fptosi %parallel_loop3A_265 : vector<16xf32> to vector<16xi32>
        %parallel_loop3A_267 = arith.sitofp %parallel_loop3A_266 : vector<16xi32> to vector<16xf32>
        %parallel_loop3A_268 = arith.subf %parallel_loop3A_265, %parallel_loop3A_267 : vector<16xf32>
        %parallel_loop3A_269 = arith.constant 0 : i32
        %parallel_loop3A_270 = vector.broadcast %parallel_loop3A_269 : i32 to vector<16xi32>
        %parallel_loop3A_271 = arith.addi %parallel_loop3A_266, %parallel_loop3A_270 : vector<16xi32>
        %parallel_loop3A_272 = tpu.vector_load_idx %arg9[%parallel_loop3A_271] : memref<32768xf32, #tpu.memory_space<vmem>>[vector<16xi32>], vector<16xf32>,
        %parallel_loop3A_273 = arith.constant 1 : i32
        %parallel_loop3A_274 = vector.broadcast %parallel_loop3A_273 : i32 to vector<16xi32>
        %parallel_loop3A_275 = arith.addi %parallel_loop3A_271, %parallel_loop3A_274 : vector<16xi32>
        %parallel_loop3A_276 = tpu.vector_load_idx %arg9[%parallel_loop3A_275] : memref<32768xf32, #tpu.memory_space<vmem>>[vector<16xi32>], vector<16xf32>,
        %parallel_loop3A_277 = arith.subf %parallel_loop3A_276, %parallel_loop3A_272 : vector<16xf32>
        %parallel_loop3A_278 = arith.mulf %parallel_loop3A_268, %parallel_loop3A_277 : vector<16xf32>
        %parallel_loop3A_279 = arith.addf %parallel_loop3A_272, %parallel_loop3A_278 : vector<16xf32>
        %parallel_loop3A_280 = arith.mulf %parallel_loop3A_279, %parallel_loop3A_68 : vector<16xf32>
        %parallel_loop3A_281 = arith.addf %parallel_loop3A_264, %parallel_loop3A_280 : vector<16xf32>
        %parallel_loop3A_282 = arith.addf %parallel_loop3A_260, %parallel_loop3A_64 : vector<16xf32>
        %parallel_loop3A_283 = arith.fptosi %parallel_loop3A_282 : vector<16xf32> to vector<16xi32>
        %parallel_loop3A_284 = arith.sitofp %parallel_loop3A_283 : vector<16xi32> to vector<16xf32>
        %parallel_loop3A_285 = arith.subf %parallel_loop3A_282, %parallel_loop3A_284 : vector<16xf32>
        %parallel_loop3A_286 = arith.constant 16384 : i32
        %parallel_loop3A_287 = vector.broadcast %parallel_loop3A_286 : i32 to vector<16xi32>
        %parallel_loop3A_288 = arith.addi %parallel_loop3A_283, %parallel_loop3A_287 : vector<16xi32>
        %parallel_loop3A_289 = tpu.vector_load_idx %arg9[%parallel_loop3A_288] : memref<32768xf32, #tpu.memory_space<vmem>>[vector<16xi32>], vector<16xf32>,
        %parallel_loop3A_290 = arith.constant 1 : i32
        %parallel_loop3A_291 = vector.broadcast %parallel_loop3A_290 : i32 to vector<16xi32>
        %parallel_loop3A_292 = arith.addi %parallel_loop3A_288, %parallel_loop3A_291 : vector<16xi32>
        %parallel_loop3A_293 = tpu.vector_load_idx %arg9[%parallel_loop3A_292] : memref<32768xf32, #tpu.memory_space<vmem>>[vector<16xi32>], vector<16xf32>,
        %parallel_loop3A_294 = arith.subf %parallel_loop3A_293, %parallel_loop3A_289 : vector<16xf32>
        %parallel_loop3A_295 = arith.mulf %parallel_loop3A_285, %parallel_loop3A_294 : vector<16xf32>
        %parallel_loop3A_296 = arith.addf %parallel_loop3A_289, %parallel_loop3A_295 : vector<16xf32>
        %parallel_loop3A_297 = arith.mulf %parallel_loop3A_296, %parallel_loop3A_72 : vector<16xf32>
        %parallel_loop3A_298 = arith.addf %parallel_loop3A_281, %parallel_loop3A_297 : vector<16xf32>
        %parallel_loop3A_299 = arith.constant 4 : i32
        %parallel_loop3A_300 = arith.index_cast %parallel_loop3A_299 : i32 to index
        %parallel_loop3A_301 = arith.index_cast %parallel_loop3A_54 : i32 to index
        %parallel_loop3A_302 = tpu.vector_load %arg15[%parallel_loop3A_300, %parallel_loop3A_301] {strides = array<i32>} : memref<8x4096xf32, #tpu.memory_space<vmem>>, vector<16xf32>,
        tpu.vector_store %arg15[%parallel_loop3A_300, %parallel_loop3A_301], %parallel_loop3A_298 {strides = array<i32>} : memref<8x4096xf32, #tpu.memory_space<vmem>>, vector<16xf32>,
        %parallel_loop3A_303 = arith.constant 5 : i32
        %parallel_loop3A_304 = arith.index_cast %parallel_loop3A_303 : i32 to index
        %parallel_loop3A_305 = arith.index_cast %parallel_loop3A_54 : i32 to index
        %parallel_loop3A_306 = tpu.vector_load %arg12[%parallel_loop3A_304, %parallel_loop3A_305] {strides = array<i32>} : memref<8x4096xf32, #tpu.memory_space<vmem>>, vector<16xf32>,
        %parallel_loop3A_307 = arith.constant 5 : i32
        %parallel_loop3A_308 = arith.index_cast %parallel_loop3A_307 : i32 to index
        %parallel_loop3A_309 = arith.index_cast %parallel_loop3A_54 : i32 to index
        %parallel_loop3A_310 = tpu.vector_load %arg15[%parallel_loop3A_308, %parallel_loop3A_309] {strides = array<i32>} : memref<8x4096xf32, #tpu.memory_space<vmem>>, vector<16xf32>,
        %parallel_loop3A_311 = arith.addf %parallel_loop3A_306, %parallel_loop3A_59 : vector<16xf32>
        %parallel_loop3A_312 = arith.fptosi %parallel_loop3A_311 : vector<16xf32> to vector<16xi32>
        %parallel_loop3A_313 = arith.sitofp %parallel_loop3A_312 : vector<16xi32> to vector<16xf32>
        %parallel_loop3A_314 = arith.subf %parallel_loop3A_311, %parallel_loop3A_313 : vector<16xf32>
        %parallel_loop3A_315 = arith.constant 0 : i32
        %parallel_loop3A_316 = vector.broadcast %parallel_loop3A_315 : i32 to vector<16xi32>
        %parallel_loop3A_317 = arith.addi %parallel_loop3A_312, %parallel_loop3A_316 : vector<16xi32>
        %parallel_loop3A_318 = tpu.vector_load_idx %arg9[%parallel_loop3A_317] : memref<32768xf32, #tpu.memory_space<vmem>>[vector<16xi32>], vector<16xf32>,
        %parallel_loop3A_319 = arith.constant 1 : i32
        %parallel_loop3A_320 = vector.broadcast %parallel_loop3A_319 : i32 to vector<16xi32>
        %parallel_loop3A_321 = arith.addi %parallel_loop3A_317, %parallel_loop3A_320 : vector<16xi32>
        %parallel_loop3A_322 = tpu.vector_load_idx %arg9[%parallel_loop3A_321] : memref<32768xf32, #tpu.memory_space<vmem>>[vector<16xi32>], vector<16xf32>,
        %parallel_loop3A_323 = arith.subf %parallel_loop3A_322, %parallel_loop3A_318 : vector<16xf32>
        %parallel_loop3A_324 = arith.mulf %parallel_loop3A_314, %parallel_loop3A_323 : vector<16xf32>
        %parallel_loop3A_325 = arith.addf %parallel_loop3A_318, %parallel_loop3A_324 : vector<16xf32>
        %parallel_loop3A_326 = arith.mulf %parallel_loop3A_325, %parallel_loop3A_68 : vector<16xf32>
        %parallel_loop3A_327 = arith.addf %parallel_loop3A_310, %parallel_loop3A_326 : vector<16xf32>
        %parallel_loop3A_328 = arith.addf %parallel_loop3A_306, %parallel_loop3A_64 : vector<16xf32>
        %parallel_loop3A_329 = arith.fptosi %parallel_loop3A_328 : vector<16xf32> to vector<16xi32>
        %parallel_loop3A_330 = arith.sitofp %parallel_loop3A_329 : vector<16xi32> to vector<16xf32>
        %parallel_loop3A_331 = arith.subf %parallel_loop3A_328, %parallel_loop3A_330 : vector<16xf32>
        %parallel_loop3A_332 = arith.constant 16384 : i32
        %parallel_loop3A_333 = vector.broadcast %parallel_loop3A_332 : i32 to vector<16xi32>
        %parallel_loop3A_334 = arith.addi %parallel_loop3A_329, %parallel_loop3A_333 : vector<16xi32>
        %parallel_loop3A_335 = tpu.vector_load_idx %arg9[%parallel_loop3A_334] : memref<32768xf32, #tpu.memory_space<vmem>>[vector<16xi32>], vector<16xf32>,
        %parallel_loop3A_336 = arith.constant 1 : i32
        %parallel_loop3A_337 = vector.broadcast %parallel_loop3A_336 : i32 to vector<16xi32>
        %parallel_loop3A_338 = arith.addi %parallel_loop3A_334, %parallel_loop3A_337 : vector<16xi32>
        %parallel_loop3A_339 = tpu.vector_load_idx %arg9[%parallel_loop3A_338] : memref<32768xf32, #tpu.memory_space<vmem>>[vector<16xi32>], vector<16xf32>,
        %parallel_loop3A_340 = arith.subf %parallel_loop3A_339, %parallel_loop3A_335 : vector<16xf32>
        %parallel_loop3A_341 = arith.mulf %parallel_loop3A_331, %parallel_loop3A_340 : vector<16xf32>
        %parallel_loop3A_342 = arith.addf %parallel_loop3A_335, %parallel_loop3A_341 : vector<16xf32>
        %parallel_loop3A_343 = arith.mulf %parallel_loop3A_342, %parallel_loop3A_72 : vector<16xf32>
        %parallel_loop3A_344 = arith.addf %parallel_loop3A_327, %parallel_loop3A_343 : vector<16xf32>
        %parallel_loop3A_345 = arith.constant 5 : i32
        %parallel_loop3A_346 = arith.index_cast %parallel_loop3A_345 : i32 to index
        %parallel_loop3A_347 = arith.index_cast %parallel_loop3A_54 : i32 to index
        %parallel_loop3A_348 = tpu.vector_load %arg15[%parallel_loop3A_346, %parallel_loop3A_347] {strides = array<i32>} : memref<8x4096xf32, #tpu.memory_space<vmem>>, vector<16xf32>,
        tpu.vector_store %arg15[%parallel_loop3A_346, %parallel_loop3A_347], %parallel_loop3A_344 {strides = array<i32>} : memref<8x4096xf32, #tpu.memory_space<vmem>>, vector<16xf32>,
        %parallel_loop3A_349 = arith.constant 6 : i32
        %parallel_loop3A_350 = arith.index_cast %parallel_loop3A_349 : i32 to index
        %parallel_loop3A_351 = arith.index_cast %parallel_loop3A_54 : i32 to index
        %parallel_loop3A_352 = tpu.vector_load %arg12[%parallel_loop3A_350, %parallel_loop3A_351] {strides = array<i32>} : memref<8x4096xf32, #tpu.memory_space<vmem>>, vector<16xf32>,
        %parallel_loop3A_353 = arith.constant 6 : i32
        %parallel_loop3A_354 = arith.index_cast %parallel_loop3A_353 : i32 to index
        %parallel_loop3A_355 = arith.index_cast %parallel_loop3A_54 : i32 to index
        %parallel_loop3A_356 = tpu.vector_load %arg15[%parallel_loop3A_354, %parallel_loop3A_355] {strides = array<i32>} : memref<8x4096xf32, #tpu.memory_space<vmem>>, vector<16xf32>,
        %parallel_loop3A_357 = arith.addf %parallel_loop3A_352, %parallel_loop3A_59 : vector<16xf32>
        %parallel_loop3A_358 = arith.fptosi %parallel_loop3A_357 : vector<16xf32> to vector<16xi32>
        %parallel_loop3A_359 = arith.sitofp %parallel_loop3A_358 : vector<16xi32> to vector<16xf32>
        %parallel_loop3A_360 = arith.subf %parallel_loop3A_357, %parallel_loop3A_359 : vector<16xf32>
        %parallel_loop3A_361 = arith.constant 0 : i32
        %parallel_loop3A_362 = vector.broadcast %parallel_loop3A_361 : i32 to vector<16xi32>
        %parallel_loop3A_363 = arith.addi %parallel_loop3A_358, %parallel_loop3A_362 : vector<16xi32>
        %parallel_loop3A_364 = tpu.vector_load_idx %arg9[%parallel_loop3A_363] : memref<32768xf32, #tpu.memory_space<vmem>>[vector<16xi32>], vector<16xf32>,
        %parallel_loop3A_365 = arith.constant 1 : i32
        %parallel_loop3A_366 = vector.broadcast %parallel_loop3A_365 : i32 to vector<16xi32>
        %parallel_loop3A_367 = arith.addi %parallel_loop3A_363, %parallel_loop3A_366 : vector<16xi32>
        %parallel_loop3A_368 = tpu.vector_load_idx %arg9[%parallel_loop3A_367] : memref<32768xf32, #tpu.memory_space<vmem>>[vector<16xi32>], vector<16xf32>,
        %parallel_loop3A_369 = arith.subf %parallel_loop3A_368, %parallel_loop3A_364 : vector<16xf32>
        %parallel_loop3A_370 = arith.mulf %parallel_loop3A_360, %parallel_loop3A_369 : vector<16xf32>
        %parallel_loop3A_371 = arith.addf %parallel_loop3A_364, %parallel_loop3A_370 : vector<16xf32>
        %parallel_loop3A_372 = arith.mulf %parallel_loop3A_371, %parallel_loop3A_68 : vector<16xf32>
        %parallel_loop3A_373 = arith.addf %parallel_loop3A_356, %parallel_loop3A_372 : vector<16xf32>
        %parallel_loop3A_374 = arith.addf %parallel_loop3A_352, %parallel_loop3A_64 : vector<16xf32>
        %parallel_loop3A_375 = arith.fptosi %parallel_loop3A_374 : vector<16xf32> to vector<16xi32>
        %parallel_loop3A_376 = arith.sitofp %parallel_loop3A_375 : vector<16xi32> to vector<16xf32>
        %parallel_loop3A_377 = arith.subf %parallel_loop3A_374, %parallel_loop3A_376 : vector<16xf32>
        %parallel_loop3A_378 = arith.constant 16384 : i32
        %parallel_loop3A_379 = vector.broadcast %parallel_loop3A_378 : i32 to vector<16xi32>
        %parallel_loop3A_380 = arith.addi %parallel_loop3A_375, %parallel_loop3A_379 : vector<16xi32>
        %parallel_loop3A_381 = tpu.vector_load_idx %arg9[%parallel_loop3A_380] : memref<32768xf32, #tpu.memory_space<vmem>>[vector<16xi32>], vector<16xf32>,
        %parallel_loop3A_382 = arith.constant 1 : i32
        %parallel_loop3A_383 = vector.broadcast %parallel_loop3A_382 : i32 to vector<16xi32>
        %parallel_loop3A_384 = arith.addi %parallel_loop3A_380, %parallel_loop3A_383 : vector<16xi32>
        %parallel_loop3A_385 = tpu.vector_load_idx %arg9[%parallel_loop3A_384] : memref<32768xf32, #tpu.memory_space<vmem>>[vector<16xi32>], vector<16xf32>,
        %parallel_loop3A_386 = arith.subf %parallel_loop3A_385, %parallel_loop3A_381 : vector<16xf32>
        %parallel_loop3A_387 = arith.mulf %parallel_loop3A_377, %parallel_loop3A_386 : vector<16xf32>
        %parallel_loop3A_388 = arith.addf %parallel_loop3A_381, %parallel_loop3A_387 : vector<16xf32>
        %parallel_loop3A_389 = arith.mulf %parallel_loop3A_388, %parallel_loop3A_72 : vector<16xf32>
        %parallel_loop3A_390 = arith.addf %parallel_loop3A_373, %parallel_loop3A_389 : vector<16xf32>
        %parallel_loop3A_391 = arith.constant 6 : i32
        %parallel_loop3A_392 = arith.index_cast %parallel_loop3A_391 : i32 to index
        %parallel_loop3A_393 = arith.index_cast %parallel_loop3A_54 : i32 to index
        %parallel_loop3A_394 = tpu.vector_load %arg15[%parallel_loop3A_392, %parallel_loop3A_393] {strides = array<i32>} : memref<8x4096xf32, #tpu.memory_space<vmem>>, vector<16xf32>,
        tpu.vector_store %arg15[%parallel_loop3A_392, %parallel_loop3A_393], %parallel_loop3A_390 {strides = array<i32>} : memref<8x4096xf32, #tpu.memory_space<vmem>>, vector<16xf32>,
        %parallel_loop3A_395 = arith.constant 7 : i32
        %parallel_loop3A_396 = arith.index_cast %parallel_loop3A_395 : i32 to index
        %parallel_loop3A_397 = arith.index_cast %parallel_loop3A_54 : i32 to index
        %parallel_loop3A_398 = tpu.vector_load %arg12[%parallel_loop3A_396, %parallel_loop3A_397] {strides = array<i32>} : memref<8x4096xf32, #tpu.memory_space<vmem>>, vector<16xf32>,
        %parallel_loop3A_399 = arith.constant 7 : i32
        %parallel_loop3A_400 = arith.index_cast %parallel_loop3A_399 : i32 to index
        %parallel_loop3A_401 = arith.index_cast %parallel_loop3A_54 : i32 to index
        %parallel_loop3A_402 = tpu.vector_load %arg15[%parallel_loop3A_400, %parallel_loop3A_401] {strides = array<i32>} : memref<8x4096xf32, #tpu.memory_space<vmem>>, vector<16xf32>,
        %parallel_loop3A_403 = arith.addf %parallel_loop3A_398, %parallel_loop3A_59 : vector<16xf32>
        %parallel_loop3A_404 = arith.fptosi %parallel_loop3A_403 : vector<16xf32> to vector<16xi32>
        %parallel_loop3A_405 = arith.sitofp %parallel_loop3A_404 : vector<16xi32> to vector<16xf32>
        %parallel_loop3A_406 = arith.subf %parallel_loop3A_403, %parallel_loop3A_405 : vector<16xf32>
        %parallel_loop3A_407 = arith.constant 0 : i32
        %parallel_loop3A_408 = vector.broadcast %parallel_loop3A_407 : i32 to vector<16xi32>
        %parallel_loop3A_409 = arith.addi %parallel_loop3A_404, %parallel_loop3A_408 : vector<16xi32>
        %parallel_loop3A_410 = tpu.vector_load_idx %arg9[%parallel_loop3A_409] : memref<32768xf32, #tpu.memory_space<vmem>>[vector<16xi32>], vector<16xf32>,
        %parallel_loop3A_411 = arith.constant 1 : i32
        %parallel_loop3A_412 = vector.broadcast %parallel_loop3A_411 : i32 to vector<16xi32>
        %parallel_loop3A_413 = arith.addi %parallel_loop3A_409, %parallel_loop3A_412 : vector<16xi32>
        %parallel_loop3A_414 = tpu.vector_load_idx %arg9[%parallel_loop3A_413] : memref<32768xf32, #tpu.memory_space<vmem>>[vector<16xi32>], vector<16xf32>,
        %parallel_loop3A_415 = arith.subf %parallel_loop3A_414, %parallel_loop3A_410 : vector<16xf32>
        %parallel_loop3A_416 = arith.mulf %parallel_loop3A_406, %parallel_loop3A_415 : vector<16xf32>
        %parallel_loop3A_417 = arith.addf %parallel_loop3A_410, %parallel_loop3A_416 : vector<16xf32>
        %parallel_loop3A_418 = arith.mulf %parallel_loop3A_417, %parallel_loop3A_68 : vector<16xf32>
        %parallel_loop3A_419 = arith.addf %parallel_loop3A_402, %parallel_loop3A_418 : vector<16xf32>
        %parallel_loop3A_420 = arith.addf %parallel_loop3A_398, %parallel_loop3A_64 : vector<16xf32>
        %parallel_loop3A_421 = arith.fptosi %parallel_loop3A_420 : vector<16xf32> to vector<16xi32>
        %parallel_loop3A_422 = arith.sitofp %parallel_loop3A_421 : vector<16xi32> to vector<16xf32>
        %parallel_loop3A_423 = arith.subf %parallel_loop3A_420, %parallel_loop3A_422 : vector<16xf32>
        %parallel_loop3A_424 = arith.constant 16384 : i32
        %parallel_loop3A_425 = vector.broadcast %parallel_loop3A_424 : i32 to vector<16xi32>
        %parallel_loop3A_426 = arith.addi %parallel_loop3A_421, %parallel_loop3A_425 : vector<16xi32>
        %parallel_loop3A_427 = tpu.vector_load_idx %arg9[%parallel_loop3A_426] : memref<32768xf32, #tpu.memory_space<vmem>>[vector<16xi32>], vector<16xf32>,
        %parallel_loop3A_428 = arith.constant 1 : i32
        %parallel_loop3A_429 = vector.broadcast %parallel_loop3A_428 : i32 to vector<16xi32>
        %parallel_loop3A_430 = arith.addi %parallel_loop3A_426, %parallel_loop3A_429 : vector<16xi32>
        %parallel_loop3A_431 = tpu.vector_load_idx %arg9[%parallel_loop3A_430] : memref<32768xf32, #tpu.memory_space<vmem>>[vector<16xi32>], vector<16xf32>,
        %parallel_loop3A_432 = arith.subf %parallel_loop3A_431, %parallel_loop3A_427 : vector<16xf32>
        %parallel_loop3A_433 = arith.mulf %parallel_loop3A_423, %parallel_loop3A_432 : vector<16xf32>
        %parallel_loop3A_434 = arith.addf %parallel_loop3A_427, %parallel_loop3A_433 : vector<16xf32>
        %parallel_loop3A_435 = arith.mulf %parallel_loop3A_434, %parallel_loop3A_72 : vector<16xf32>
        %parallel_loop3A_436 = arith.addf %parallel_loop3A_419, %parallel_loop3A_435 : vector<16xf32>
        %parallel_loop3A_437 = arith.constant 7 : i32
        %parallel_loop3A_438 = arith.index_cast %parallel_loop3A_437 : i32 to index
        %parallel_loop3A_439 = arith.index_cast %parallel_loop3A_54 : i32 to index
        %parallel_loop3A_440 = tpu.vector_load %arg15[%parallel_loop3A_438, %parallel_loop3A_439] {strides = array<i32>} : memref<8x4096xf32, #tpu.memory_space<vmem>>, vector<16xf32>,
        tpu.vector_store %arg15[%parallel_loop3A_438, %parallel_loop3A_439], %parallel_loop3A_436 {strides = array<i32>} : memref<8x4096xf32, #tpu.memory_space<vmem>>, vector<16xf32>,
      } {sc.loop_unroll_factor = 1 : i64, sc.parallel_access}
    }
    %scan3A_41 = arith.constant 64 : i32
    "tpu.region"() ({
      %run_scoped3A = tpu.sem_alloc : memref<!tpu.dma_semaphore, #tpu.memory_space<semaphore_mem>>
      %dma_start3A = arith.constant 0 : i32
      %dma_start3A_42 = tpu.memref_slice %arg8[%dma_start3A, %mul3A_2] : memref<8x131072xf32, #tpu.memory_space<hbm>> -> memref<8x4096xf32, #tpu.memory_space<hbm>>
      %dma_start3A_43 = arith.constant 0 : i32
      %dma_start3A_44 = tpu.memref_slice %arg8[%dma_start3A_43, %mul3A_2] : memref<8x131072xf32, #tpu.memory_space<hbm>> -> memref<8x4096xf32, #tpu.memory_space<hbm>>
      tpu.enqueue_dma source(%arg15 : memref<8x4096xf32, #tpu.memory_space<vmem>>) target(%dma_start3A_44 : memref<8x4096xf32, #tpu.memory_space<hbm>>) target_semaphore(%run_scoped3A : memref<!tpu.dma_semaphore, #tpu.memory_space<semaphore_mem>>)
      %dma_wait3A = arith.constant 0 : i32
      %dma_wait3A_45 = tpu.memref_slice %arg8[%dma_wait3A, %mul3A_2] : memref<8x131072xf32, #tpu.memory_space<hbm>> -> memref<8x4096xf32, #tpu.memory_space<hbm>>
      %dma_wait3A_46 = arith.constant 0 : i32
      %dma_wait3A_47 = tpu.memref_slice %arg8[%dma_wait3A_46, %mul3A_2] : memref<8x131072xf32, #tpu.memory_space<hbm>> -> memref<8x4096xf32, #tpu.memory_space<hbm>>
      tpu.wait_dma2 semaphore(%run_scoped3A : memref<!tpu.dma_semaphore, #tpu.memory_space<semaphore_mem>>) src(%arg15 : memref<8x4096xf32, #tpu.memory_space<vmem>>) dst(%dma_wait3A_47 : memref<8x4096xf32, #tpu.memory_space<hbm>>)
      tpu.yield
    }) : () -> ()
    return
  }
}

</mosaic_0001>

<sc_bundles>
// kernel: kernel.3.cloned.1.call-start
scs
__scs_entry_jumppad:
0x0: {  	(pc) =	sbr.rel $0x88, $3  }
0x1: {  	(tag) =	ssettag $0x0;
	lr =	simm.s32 $0x1  }
0x2: {  	[smem:$0x3F9A] =	sst lr;
	_ =	strace $0xD0000000  }
0x3: {  	_ = 	snop  }
0x4: {  	_ = 	snop  }
0x5: {  	_ = 	snop  }
0x6: {  	_ = 	snop  }
0x7: {  	_ = 	snop  }
__scs_overlays_trampoline_lowered:
0x8: {  	[smem:$0x3FA9] =	sst s0  }
0x9: {  	[smem:$0x3FAA] =	sst s1  }
0xa: {  	[smem:$0x3FAB] =	sst s2  }
0xb: {  	[smem:$0x3FAC] =	sst s3  }
0xc: {  	[smem:$0x3FAD] =	sst s4  }
0xd: {  	[smem:$0x3FAE] =	sst s5  }
0xe: {  	[smem:$0x3FAF] =	sst s6  }
0xf: {  	[smem:$0x3FB0] =	sst s7  }
0x10: {  	[smem:$0x3FB1] =	sst s8  }
0x11: {  	[smem:$0x3FB2] =	sst s9;
	s0 =	simm.s32 @!p0 $0x0  }
0x12: {  	s1 =	sld [smem:$0x3F98];
	s0 =	simm.s32 @p0 $0x1  }
0x13: {  	[smem:$0x3FB3] =	sst s0;
	s0 =	simm.s32 @!p1 $0x0  }
0x14: {  	s2 =	sld [smem:$0x3F97];
	s0 =	simm.s32 @p1 $0x1  }
0x15: {  	[smem:$0x3FB4] =	sst s0;
	s0 =	simm.s32 @!p2 $0x0  }
0x16: {  	s3 =	sld [smem:$0x3FDB];
	s0 =	simm.s32 @p2 $0x1  }
0x17: {  	s4 =	simm.s32 $0x1BF5;
	[smem:$0x3FB6] =	sst s0  }
0x18: {  	s0 =	sld [smem:$0x3F99];
	_ =	swait.ge [sflag:s4], $0x0  }
0x19: {  	s7 =	sld [smem:$0x3F9A]  }
0x1a: {  	s8 =	sadd.s32 $0xFFFFE003, lr  }
0x1b: {  	s9 =	sadd.s32 $0xFFFFFEF7, lr;
	s5 =	simm.s32 $0xFFFFFFFF;
	p2 =	slt.u32 s8, $0xFFFFF086  }
0x1c: {  	p1 =	slt.u32 s9, $0xF7A;
	s5 =	simm.s32 @!p2 $0x0  }
0x1d: {  	s5 =	simm.s32 @p1 $0x1;
	p0 =	seq.s32 s7, s2  }
0x1e: {  	s7 =	smul.u32 @!p0 $0xF7A, s2;
	p2 =	seq.s32 @!p0 s5, $0x0  }
0x1f: {  	s9 =	smul.u32 $0xF7A, s1;
	s8 =	simm.s32 @!p0 $0x1BF5;
	p2 =	por !p2, p0  }
0x20: {  	[sflag:s8] =	ssyncset.s32 @!p0 $0xFFFFF086;
	s6 =	sadd.s32 @!p0 s3, s7;
	s7 =	simm.s32 @!p0 $0x108  }
0x21: {  	s3 =	sadd.s32 s3, s9;
	s6 =	sadd.s32 @!p0 $0x88, s6;
	s7 =	simm.s32 @p2 $0x1082  }
0x22: {  	[simem:s7], [sflag:s8] =	dma.local @!p0 [hbm:s6], $0xF7A  }
0x23: {  	s9 =	sor.u32 $0xD0000000, s2;
	s6 =	simm.s32 $0x108;
	_ =	swait.ge @!p0 [sflag:s8], $0x0  }
0x24: {  	s3 =	sadd.s32 $0x88, s3;
	s6 =	simm.s32 @!p1 $0x1082;
	[sflag:s4] =	ssyncset.s32 $0xFFFFF086  }
0x25: {  	[simem:s6], [sflag:s4] =	dma.local [hbm:s3], $0xF7A  }
0x26: {  	[smem:$0x3F9A] =	sst s1;
	(tag) =	ssettag s2;
	_ =	strace s9  }
0x27: {  	s1 =	sld [smem:$0x3FAA]  }
0x28: {  	s2 =	sld [smem:$0x3FAB]  }
0x29: {  	s4 =	sld [smem:$0x3FAD]  }
0x2a: {  	p0 =	seq.s32 s5, $0x0;
	s5 =	sld [smem:$0x3FAE]  }
0x2b: {  	s6 =	sld [smem:$0x3FAF]  }
0x2c: {  	s7 =	sld [smem:$0x3FB0]  }
0x2d: {  	s3 =	simm.s32 $0x108;
	s8 =	sld [smem:$0x3FB1]  }
0x2e: {  	s3 =	simm.s32 @!p0 $0x1082;
	s9 =	sld [smem:$0x3FB2]  }
0x2f: {  	lr =	sadd.s32 s0, s3;
	s0 =	sld [smem:$0x3FA9]  }
0x30: {  	s3 =	sld [smem:$0x3FAC]  }
0x31: {  	[smem:$0x3FB5] =	sst s10  }
0x32: {  	s10 =	sld [smem:$0x3FB3];
	_ =	sdelay $0x3  }
0x33: {  	p0 =	seq.s32 s10, $0x1;
	s10 =	sld [smem:$0x3FB5];
	_ =	sdelay $0x3  }
0x34: {  	[smem:$0x3FB5] =	sst s10  }
0x35: {  	s10 =	sld [smem:$0x3FB4];
	_ =	sdelay $0x3  }
0x36: {  	p1 =	seq.s32 s10, $0x1;
	s10 =	sld [smem:$0x3FB5];
	_ =	sdelay $0x3  }
0x37: {  	[smem:$0x3FB5] =	sst s10  }
0x38: {  	s10 =	sld [smem:$0x3FB6]  }
0x39: {  	_ = 	snop;
	(pc) =	sbr.ind lr, $3  }
0x3a: {  	_ = 	snop  }
0x3b: {  	_ = 	snop  }
0x3c: {  	p2 =	seq.s32 s10, $0x1;
	s10 =	sld [smem:$0x3FB5]  }
0x3d: {  	_ =	shalt  }
0x3e: {  	_ =	shalt  }
0x3f: {  	_ =	shalt  }
0x40: {  	_ =	shalt  }
0x41: {  	_ =	shalt  }
0x42: {  	_ =	shalt  }
0x43: {  	_ =	shalt  }
0x44: {  	_ =	shalt  }
0x45: {  	_ =	shalt  }
0x46: {  	_ =	shalt  }
0x47: {  	_ =	shalt  }
0x48: {  	_ =	shalt  }
0x49: {  	_ =	shalt  }
0x4a: {  	_ =	shalt  }
0x4b: {  	_ =	shalt  }
0x4c: {  	_ =	shalt  }
0x4d: {  	_ =	shalt  }
0x4e: {  	_ =	shalt  }
0x4f: {  	_ =	shalt  }
0x50: {  	_ =	shalt  }
0x51: {  	_ =	shalt  }
0x52: {  	_ =	shalt  }
0x53: {  	_ =	shalt  }
0x54: {  	_ =	shalt  }
0x55: {  	_ =	shalt  }
0x56: {  	_ =	shalt  }
0x57: {  	_ =	shalt  }
0x58: {  	_ =	shalt  }
0x59: {  	_ =	shalt  }
0x5a: {  	_ =	shalt  }
0x5b: {  	_ =	shalt  }
0x5c: {  	_ =	shalt  }
0x5d: {  	_ =	shalt  }
0x5e: {  	_ =	shalt  }
0x5f: {  	_ =	shalt  }
0x60: {  	_ =	shalt  }
0x61: {  	_ =	shalt  }
0x62: {  	_ =	shalt  }
0x63: {  	_ =	shalt  }
0x64: {  	_ =	shalt  }
0x65: {  	_ =	shalt  }
0x66: {  	_ =	shalt  }
0x67: {  	_ =	shalt  }
0x68: {  	_ =	shalt  }
0x69: {  	_ =	shalt  }
0x6a: {  	_ =	shalt  }
0x6b: {  	_ =	shalt  }
0x6c: {  	_ =	shalt  }
0x6d: {  	_ =	shalt  }
0x6e: {  	_ =	shalt  }
0x6f: {  	_ =	shalt  }
0x70: {  	_ =	shalt  }
0x71: {  	_ =	shalt  }
0x72: {  	_ =	shalt  }
0x73: {  	_ =	shalt  }
0x74: {  	_ =	shalt  }
0x75: {  	_ =	shalt  }
0x76: {  	_ =	shalt  }
0x77: {  	_ =	shalt  }
0x78: {  	_ =	shalt  }
0x79: {  	_ =	shalt  }
0x7a: {  	_ =	shalt  }
0x7b: {  	_ =	shalt  }
0x7c: {  	_ =	shalt  }
0x7d: {  	_ =	shalt  }
0x7e: {  	_ =	shalt  }
0x7f: {  	_ =	shalt  }
0x80: {  	_ =	shalt  }
0x81: {  	_ =	shalt  }
0x82: {  	_ =	shalt  }
0x83: {  	_ =	shalt  }
0x84: {  	_ =	shalt  }
0x85: {  	_ =	shalt  }
0x86: {  	_ =	shalt  }
0x87: {  	_ =	shalt  }
.Lfunc_end0:
.L_simem_size_0:
called_computation.2_lowered:
.L_overlay_start_0:
0x88: {  	s2 =	sld [smem:$0x3FD9]  }
0x89: {  	s3 =	sld [smem:$0x3FFE];
	_ =	sdelay $0x1  }
0x8a: {  	s1 =	srdreg.scid  }
0x8b: {  	s0 =	sand.u32 $0x1, s1  }
0x8c: {  	s17 =	sshll.u32 s0, $0xA;
	s2 =	sadd.s32 s3, s2  }
0x8d: {  	s2 =	sadd.s32 s2, s17  }
0x8e: {  	[smem:$0x3FC1] =	sst s2  }
0x8f: {  	_ = 	snop  }
0x90: {  	s2 =	sld [smem:$0x3FD0];
	(tm) =	ssettm $0x1  }
0x91: {  	s18 =	sld [smem:$0x3FFB];
	_ =	sdelay $0x3  }
0x92: {  	_ =	strace s18  }
0x93: {  	s3 =	sld [smem:$0x3FFC];
	_ =	sdelay $0x3  }
0x94: {  	_ =	strace s3  }
0x95: {  	s3 =	sld [smem:$0x3FFD];
	_ =	sdelay $0x3  }
0x96: {  	_ =	strace s3  }
0x97: {  	_ =	strace $0x8FFFFFFF  }
0x98: {  	s19 =	sld [smem:$0x3FDB];
	_ =	sdelay $0x1  }
0x99: {  	s4 =	simm.s32 $_scs_section_size  }
0x9a: {  	s5 =	simm.s32 $_size__tile_overlayer_lowered;
	s6 =	simm.s32 $_tile_overlayer_lowered  }
0x9b: {  	s22 =	simm.s32 $0x1BFF;
	s21 =	sshll.u32 s6, $0x1;
	s3 =	sadd.s32 s4, s19  }
0x9c: {  	s7 =	simm.s32 $0x0;
	s20 =	sshll.u32 s5, $0x1;
	s5 =	sadd.s32 s21, s3  }
0x9d: {  	[timem:s7], [sflag:s22] =	dma.local [hbm:s5], s20  }
0x9e: {  	_ =	swait.ge [sflag:s22], s20  }
0x9f: {  	s4 =	ssub.s32 $0x0, s20;
	[sflag:s22] =	ssyncset.done $0x0  }
0xa0: {  	[sflag:s22] =	ssyncadd.s32 s4;
	_ =	sdelay $0x1  }
0xa1: {  	s23 =	simm.s32 $0x1B8B  }
0xa2: {  	_ =	swait.ge [sflag:s23], $0x1  }
0xa3: {  	[sflag:s23] =	ssyncset.done $0x0  }
0xa4: {  	s25 =	simm.s32 $0x1B8E;
	s24 =	sld [smem:$0x3FFE];
	[sflag:s23] =	ssyncadd.s32 $0xFFFFFFFF  }
0xa5: {  	s26 =	simm.s32 $execute0_lowered;
	[smem:$0x3FD2] =	sst s25  }
0xa6: {  	s5 =	sshll.u32 s26, $0x1;
	_ =	strace $0x8000004C;
	[dreg:$0x1] =	wrdreg $0xFFFFFFFF  }
0xa7: {  	s28 =	simm.s32 $_size_execute0_lowered;
	s3 =	sadd.s32 s3, s5;
	[dreg:$0x0] =	wrdreg $0x0  }
0xa8: {  	s5 =	sshll.u32 s28, $0x1;
	[dreg:$0x2] =	wrdreg s3  }
0xa9: {  	[dreg:$0x3] =	wrdreg s5  }
0xaa: {  	[dreg:$0x4] =	wrdreg $0xC0  }
0xab: {  	_ =	task [dreg:s7], $0x5FFFF  }
0xac: {  	[dreg:$0x1] =	wrdreg $0xFFFFFFFF  }
0xad: {  	[dreg:$0x0] =	wrdreg $0x60  }
0xae: {  	[dreg:$0x2] =	wrdreg s24  }
0xaf: {  	[dreg:$0x3] =	wrdreg s2  }
0xb0: {  	[dreg:$0x4] =	wrdreg $0x9  }
0xb1: {  	_ =	task.clear_ibuf [dreg:s7], $0x5FFFF;
	_ =	strace $0x9000004C  }
0xb2: {  	s29 =	simm.s32 $0x9;
	_ =	strace $0x8000004E  }
0xb3: {  	_ =	swait.ge [sflag:s29], $0x1  }
0xb4: {  	[sflag:s29] =	ssyncadd.s32 $0xFFFFFFFF  }
0xb5: {  	_ =	strace $0x9000004E  }
0xb6: {  	_ =	sfence  }
0xb7: {  	s30 =	sld [smem:$0x0];
	_ =	sdelay $0x2  }
0xb8: {  	s31 =	sshll.u32 s1, $0xD;
	s1 =	sshrl.u32 s1, $0x2  }
0xb9: {  	s3 =	sand.u32 $0x4000, s31;
	s1 =	sadd.s32 s1, s30  }
0xba: {  	s0 =	sor.u32 s3, s0;
	s1 =	sshll.u32 s1, $0x11  }
0xbb: {  	s0 =	sor.u32 s1, s0  }
0xbc: {  	s0 =	sadd.s32 $0x8F2B, s0  }
0xbd: {  	[sflag:s0] =	ssyncadd.remote.s32 $0x1  }
0xbe: {  	_ =	sfence.sel $0xFFFF  }
0xbf: {  	[dreg:$0x0] =	wrdreg $0xFFFFFFFF;
	(pc) =	sbr.abs _section_cstart, $3  }
0xc0: {  	[dreg:$0x1] =	wrdreg $0xFFFFFFFF  }
0xc1: {  	_ =	task.clear_ibuf [dreg:s7], $0x2FFFF;
	_ =	strace $0x9FFFFFFF  }
0xc2: {  	(tm) =	ssettm $0x7FFFFFFF  }
0xc3: {  	_ =	shalt  }
tec
execute0_lowered:
.L_overlay_start_1:
0x0: {  	(tag) =	ssettag $0x1  }
0x1: {  	s0 =	rddreg [dreg:$0x0]  }
0x2: {  	s9 =	rddreg [dreg:$0x1];
	s1 =	simm.s32 $0x0;
	s5 =	srdreg.scid  }
0x3: {  	s2 =	stileid.u32;
	s13 =	simm.s32 $0x1;
	s14 =	simm.s32 $0x8400  }
0x4: {  	s15 =	simm.s32 $0x8480;
	s16 =	simm.s32 $0x100;
	s17 =	simm.s32 $0x400  }
0x5: {  	s18 =	simm.s32 $0x10480;
	s19 =	simm.s32 $0x12480;
	s20 =	simm.s32 $0x14480  }
0x6: {  	s21 =	simm.s32 $0x0;
	[smem:$0x7FF] =	sst s1;
	s3 =	sadd.s32 $0x401800, s0  }
0x7: {  	s4 =	sadd.s32 $0x441A00, s0;
	s8 =	sand.u32 $0x1, s5;
	s5 =	sadd.s32 $0x441800, s0  }
0x8: {  	s7 =	sshll.u32 s2, $0x10;
	s6 =	sadd.s32 $0x1800, s0;
	s10 =	sshll.u32 s8, $0xF  }
0x9: {  	_ =	strace $0x8000004D;
	s31 =	ssub.s32 $0x2, s8;
	s7 =	sor.u32 s10, s7  }
0xa: {  	s8 =	sadd.s32 $0x201800, s0;
	s12 =	sshrl.u32 s31, $0x1;
	s11 =	sshrl.u32 s7, $0x3  }
0xb: {  	s12 =	ssub.s32 s31, s12;
	s0 =	sadd.s32 s11, s0;
	s9 =	sadd.s32 s9, s11  }
0xc: {  	v0 =	vimm.f32 $0.0e+00;
	s11 =	smax.u32 s12, $0x1;
	s12 =	simm.s32 $0x8000;
	s10 =	sadd.s32 $0x441C00, s0  }
.LBB2_1:
0xd: {  	[tilespmem:s12], [sflag:$0x1] =	stream.linear.gather [hbm4b:s4+s1], $0x400, $0x38;
	[tilespmem:$0x1C480] =	vst v63  }
0xe: {  	_ =	swait.ge [sflag:s13], $0x400  }
0xf: {  	[sflag:s13] =	ssyncset.done $0x0  }
0x10: {  	[sflag:s13] =	ssyncadd.s32 $0xFFFFFC00  }
0x11: {  	[tilespmem:s14], [sflag:$0x1] =	stream.linear.gather [hbm4b:s5+s1], $0x80, $0x38;
	[tilespmem:$0x1C480] =	vst v63  }
0x12: {  	_ =	swait.ge [sflag:s13], $0x80  }
0x13: {  	[sflag:s13] =	ssyncset.done $0x0  }
0x14: {  	[sflag:s13] =	ssyncadd.s32 $0xFFFFFF80  }
0x15: {  	[tilespmem:s15], [sflag:$0x1] =	stream.linear.gather [hbm4b:s9+s1], $0x8000, $0x38;
	[tilespmem:$0x1C480] =	vst v63  }
0x16: {  	_ =	swait.ge [sflag:s13], $0x8000  }
0x17: {  	[sflag:s13] =	ssyncset.done $0x0  }
0x18: {  	[sflag:s13] =	ssyncadd.s32 $0xFFFF8000  }
0x19: {  	v1 =	vld [tilespmem:$0x8400]  }
0x1a: {  	v2 =	vld [tilespmem:$0x8000]  }
0x1b: {  	v3 =	vld [tilespmem:$0x8080]  }
0x1c: {  	v4 =	vld [tilespmem:$0x8100]  }
0x1d: {  	v5 =	vld [tilespmem:$0x8180]  }
0x1e: {  	v6 =	vld [tilespmem:$0x8200]  }
0x1f: {  	s0 =	sand.u32 $0x70, s1;
	s22 =	sand.u32 $0x7C00, s1;
	v7 =	vld [tilespmem:$0x8280]  }
0x20: {  	s23 =	sor.u32 s0, s22;
	v8 =	vld [tilespmem:$0x8300]  }
0x21: {  	v10 =	vld [tilespmem:s23+$0x8480]  }
0x22: {  	v11 =	vld [tilespmem:s23+$0x8500]  }
0x23: {  	v12 =	vld [tilespmem:s23+$0x8580]  }
0x24: {  	v9 =	vld [tilespmem:$0x8380];
	[tilespmem:s23+$0x14480] =	vst v0  }
0x25: {  	[tilespmem:s23+$0x14500] =	vst v0;
	v13 =	vld [tilespmem:s23+$0x8600]  }
0x26: {  	[tilespmem:s23+$0x14580] =	vst v0;
	v14 =	vld [tilespmem:s23+$0x8680];
	v2 =	vadd.f32 $0.0e+00, v2;
	v10 =	vmul.f32 v10, v1  }
0x27: {  	[tilespmem:s23+$0x14600] =	vst v0;
	v15 =	vld [tilespmem:s23+$0x8700];
	v3 =	vadd.f32 $2.048000000e+03, v3;
	v11 =	vmul.f32 v11, v1  }
0x28: {  	[tilespmem:s23+$0x14680] =	vst v0;
	v16 =	vld [tilespmem:s23+$0x8780];
	v4 =	vadd.f32 $4.096000000e+03, v4;
	v12 =	vmul.f32 v12, v1;
	v10 =	vadd.f32 v10, v2  }
0x29: {  	[tilespmem:s23+$0x14700] =	vst v0;
	v11 =	vadd.f32 v11, v3  }
0x2a: {  	v5 =	vadd.f32 $6.144000000e+03, v5;
	v13 =	vmul.f32 v13, v1;
	[tilespmem:s23+$0x8480] =	vst v10;
	v10 =	vadd.f32 v12, v4  }
0x2b: {  	v6 =	vadd.f32 $8.192000000e+03, v6;
	v12 =	vmul.f32 v14, v1;
	[tilespmem:s23+$0x8500] =	vst v11  }
0x2c: {  	v7 =	vadd.f32 $1.024000000e+04, v7;
	v11 =	vadd.f32 v13, v5;
	[tilespmem:s23+$0x8580] =	vst v10;
	v10 =	vmul.f32 v15, v1  }
0x2d: {  	s30 =	simm.s32 $0x10;
	s22 =	simm.s32 $0x80;
	[tilespmem:s23+$0x14780] =	vst v0;
	v8 =	vadd.f32 $1.228800000e+04, v8;
	v13 =	vmul.f32 v16, v1;
	v12 =	vadd.f32 v12, v6  }
0x2e: {  	s31 =	sand.u32 $0x7, s1;
	s0 =	sand.u32 $0x70, s30;
	s24 =	sand.u32 $0x7C00, s22;
	[tilespmem:s23+$0x8600] =	vst v11;
	v10 =	vadd.f32 v10, v7  }
0x2f: {  	s0 =	sor.u32 s0, s24;
	s24 =	sshll.u32 s31, $0x4;
	[tilespmem:s23+$0x8680] =	vst v12;
	v12 =	vadd.f32 v13, v8  }
0x30: {  	s24 =	sadd.s32 $0x0, s24;
	[tilespmem:s23+$0x8700] =	vst v10  }
0x31: {  	s25 =	sor.u32 $0x380, s24;
	v14 =	vld [tilespmem:s0+$0x8480];
	[tilespmem:s23+$0x8780] =	vst v12  }
0x32: {  	[tilespmem:s0+$0x14480] =	vst v0;
	v10 =	vld [tilespmem:s25+$0x8480]  }
0x33: {  	[tilespmem:s0+$0x14500] =	vst v0;
	v11 =	vld [tilespmem:s0+$0x8500]  }
0x34: {  	[tilespmem:s0+$0x14580] =	vst v0;
	v13 =	vld [tilespmem:s0+$0x8580]  }
0x35: {  	[tilespmem:s0+$0x14600] =	vst v0;
	v12 =	vld [tilespmem:s0+$0x8600]  }
0x36: {  	s26 =	simm.s32 $0x20;
	s24 =	simm.s32 $0x0;
	v9 =	vadd.f32 $1.433600000e+04, v9;
	v15 =	vmul.f32 v14, v1;
	v14 =	vld [tilespmem:s0+$0x8680];
	s23 =	simm.s32 $0x80;
	[tilespmem:s25+$0x14480] =	vst v0  }
.LBB2_2:
0x37: {  	p0 =	sne.s32 s26, $0xFF0;
	[tilespmem:s0+$0x14680] =	vst v0;
	v16 =	vld [tilespmem:s0+$0x8700];
	v10 =	vmul.f32 v10, v1  }
0x38: {  	v15 =	vadd.f32 v15, v2;
	v11 =	vmul.f32 v11, v1;
	[tilespmem:s0+$0x14700] =	vst v0;
	v17 =	vld [tilespmem:s0+$0x8780]  }
0x39: {  	v13 =	vmul.f32 v13, v1;
	[tilespmem:s0+$0x14780] =	vst v0;
	v10 =	vadd.f32 v10, v9  }
0x3a: {  	[tilespmem:s0+$0x8480] =	vst v15;
	v11 =	vadd.f32 v11, v3;
	v12 =	vmul.f32 v12, v1  }
0x3b: {  	v13 =	vadd.f32 v13, v4;
	v14 =	vmul.f32 v14, v1;
	[tilespmem:s25+$0x8480] =	vst v10  }
0x3c: {  	[tilespmem:s0+$0x8500] =	vst v11;
	v10 =	vadd.f32 v12, v5;
	v11 =	vmul.f32 v16, v1  }
0x3d: {  	s24 =	sadd.s32 $0x1, s24;
	[tilespmem:s0+$0x8580] =	vst v13;
	v12 =	vadd.f32 v14, v6;
	v13 =	vmul.f32 v17, v1  }
0x3e: {  	s22 =	sadd.s32 $0x80, s22;
	s25 =	sand.u32 $0x7, s24;
	[tilespmem:s0+$0x8600] =	vst v10;
	v10 =	vadd.f32 v11, v7  }
0x3f: {  	s28 =	sand.u32 $0x70, s26;
	s29 =	sand.u32 $0x7C00, s22;
	s25 =	sshll.u32 s25, $0x4;
	[tilespmem:s0+$0x8680] =	vst v12;
	v11 =	vadd.f32 v13, v8  }
0x40: {  	s28 =	sor.u32 s28, s29;
	s25 =	sadd.s32 s25, s23;
	s23 =	smov.u32 s22;
	[tilespmem:s0+$0x8700] =	vst v10  }
0x41: {  	s25 =	sor.u32 $0x380, s25;
	v14 =	vld [tilespmem:s28+$0x8480];
	[tilespmem:s0+$0x8780] =	vst v11;
	s0 =	smov.u32 s28  }
.Ltmp0:
0x42: {  	v10 =	vld [tilespmem:s25+$0x8480];
	[tilespmem:s25+$0x14480] =	vst v0;
	(pc) =	sbr.rel @p0 .LBB2_2-.Ltmp0, $4  }
0x43: {  	[tilespmem:s0+$0x14480] =	vst v0;
	v11 =	vld [tilespmem:s0+$0x8500]  }
0x44: {  	[tilespmem:s0+$0x14500] =	vst v0;
	v13 =	vld [tilespmem:s0+$0x8580]  }
0x45: {  	[tilespmem:s0+$0x14580] =	vst v0;
	v12 =	vld [tilespmem:s0+$0x8600]  }
0x46: {  	s26 =	sadd.s32 $0x10, s26;
	v15 =	vmul.f32 v14, v1;
	[tilespmem:s0+$0x14600] =	vst v0;
	v14 =	vld [tilespmem:s0+$0x8680]  }
0x47: {  	v16 =	vld [tilespmem:s0+$0x8700]  }
0x48: {  	[tilespmem:s0+$0x14680] =	vst v0;
	v17 =	vld [tilespmem:s0+$0x8780];
	v11 =	vmul.f32 v11, v1  }
0x49: {  	[tilespmem:s0+$0x14700] =	vst v0;
	v2 =	vadd.f32 v15, v2;
	v13 =	vmul.f32 v13, v1  }
0x4a: {  	[tilespmem:s0+$0x14780] =	vst v0;
	v3 =	vadd.f32 v11, v3;
	v60 =	vmul.f32 v12, v1  }
0x4b: {  	[tilespmem:s0+$0x8480] =	vst v2;
	v2 =	vadd.f32 v13, v4;
	v61 =	vmul.f32 v14, v1  }
0x4c: {  	[tilespmem:s0+$0x8500] =	vst v3;
	v3 =	vadd.f32 v60, v5;
	v62 =	vmul.f32 v16, v1  }
0x4d: {  	s22 =	sadd.s32 $0x1, s24;
	v63 =	vmul.f32 v17, v1;
	[tilespmem:s0+$0x8580] =	vst v2;
	v2 =	vadd.f32 v61, v6  }
0x4e: {  	s22 =	sand.u32 $0x7, s22;
	[tilespmem:s0+$0x8600] =	vst v3;
	v3 =	vadd.f32 v62, v7  }
0x4f: {  	s22 =	sshll.u32 s22, $0x4;
	[tilespmem:s0+$0x8680] =	vst v2;
	v2 =	vadd.f32 v63, v8  }
0x50: {  	s22 =	sadd.s32 s22, s23;
	[tilespmem:s0+$0x8700] =	vst v3  }
0x51: {  	s31 =	sor.u32 $0x380, s22;
	[tilespmem:s0+$0x8780] =	vst v2  }
0x52: {  	v2 =	vld [tilespmem:s31+$0x8480];
	_ =	sdelay $0x3  }
0x53: {  	v3 =	vmul.f32 v10, v1  }
0x54: {  	v2 =	vmul.f32 v2, v1  }
0x55: {  	v3 =	vadd.f32 v3, v9  }
0x56: {  	[tilespmem:s31+$0x14480] =	vst v0;
	v2 =	vadd.f32 v2, v9  }
0x57: {  	[tilespmem:s25+$0x8480] =	vst v3  }
0x58: {  	s23 =	simm.s32 $0x0;
	s22 =	simm.s32 $0x0;
	[tilespmem:s31+$0x8480] =	vst v2  }
.LBB2_4:
0x59: {  	s0 =	sshll.u32 s23, $0xC  }
0x5a: {  	s31 =	sshll.u32 s23, $0x8;
	s24 =	sshll.u32 s23, $0x12;
	s0 =	sadd.s32 s3, s0  }
0x5b: {  	[tilespmem:s22], [sflag:$0x1] =	stream.linear.gather [hbm4b:s0+s22], $0x8000, $0x38;
	[tilespmem:$0x1C480] =	vst v63  }
0x5c: {  	s24 =	sand.u32 $0xF00000, s24;
	s0 =	sand.u32 $0x300, s31  }
0x5d: {  	s0 =	sor.u32 s24, s0  }
0x5e: {  	_ =	swait.ge [sflag:s13], $0x8000;
	s0 =	sor.u32 s7, s0  }
0x5f: {  	[sflag:s13] =	ssyncset.done $0x0;
	s0 =	sshrl.u32 s0, $0x3  }
0x60: {  	[sflag:s13] =	ssyncadd.s32 $0xFFFF8000;
	s25 =	sadd.s32 s6, s0  }
0x61: {  	[tilespmem:s18], [sflag:$0x1] =	stream.strided.gather [hbm4b:s25+s16], $0x2000, s17, s16, $0x38;
	[tilespmem:$0x1C480] =	vst v63  }
0x62: {  	_ =	swait.ge [sflag:s13], $0x2000  }
0x63: {  	[sflag:s13] =	ssyncset.done $0x0  }
0x64: {  	s0 =	sadd.s32 s8, s0;
	[sflag:s13] =	ssyncadd.s32 $0xFFFFE000  }
0x65: {  	[tilespmem:s19], [sflag:$0x1] =	stream.strided.gather [hbm4b:s0+s16], $0x2000, s17, s16, $0x38;
	[tilespmem:$0x1C480] =	vst v63  }
0x66: {  	_ =	swait.ge [sflag:s13], $0x2000  }
0x67: {  	s26 =	simm.s32 $0x0;
	s0 =	sand.u32 $0x70, s22;
	[sflag:s13] =	ssyncset.done $0x0  }
0x68: {  	s25 =	sor.u32 s0, s26;
	[sflag:s13] =	ssyncadd.s32 $0xFFFFE000  }
0x69: {  	s31 =	simm.s32 $0x0;
	v2 =	vld [tilespmem:s25+$0x10480]  }
0x6a: {  	s24 =	sor.u32 s0, s31;
	v3 =	vld [tilespmem:s25+$0x10500]  }
0x6b: {  	v4 =	vld [tilespmem:s24+$0x8480];
	_ =	sdelay $0x2  }
0x6c: {  	v12 =	vmul.f32 v2, v1  }
0x6d: {  	v13 =	vmul.f32 v3, v1  }
0x6e: {  	v2 =	vadd.f32 v4, v12  }
0x6f: {  	v4 =	vadd.f32 v4, v13  }
0x70: {  	v3 =	vtrunc.f32 v2  }
0x71: {  	v5 =	vtrunc.f32 v4;
	v3 =	vcvt.f32.s32 v3  }
0x72: {  	v5 =	vcvt.f32.s32 v5  }
0x73: {  	v6 =	vadd.s32 $0x1, v3  }
0x74: {  	v7 =	vadd.s32 $0x4000, v5  }
0x75: {  	v8 =	vadd.s32 $0x4001, v5;
	_ =	sdelay $0x1  }
0x76: {  	v9 =	vld.idx.msk [tilespmem:v3+s1+$0x0], $0xffff  }
0x77: {  	v6 =	vld.idx.msk [tilespmem:v6+s1+$0x0], $0xffff  }
0x78: {  	v7 =	vld.idx.msk [tilespmem:v7+s1+$0x0], $0xffff  }
0x79: {  	v8 =	vld.idx.msk [tilespmem:v8+s1+$0x0], $0xffff  }
0x7a: {  	v3 =	vcvt.s32.f32 v3  }
0x7b: {  	v10 =	vld [tilespmem:s24+$0x8500]  }
0x7c: {  	v5 =	vcvt.s32.f32 v5;
	v11 =	vsub.f32 v2, v3;
	v6 =	vsub.f32 v6, v9  }
0x7d: {  	v3 =	vld [tilespmem:s25+$0x12480]  }
0x7e: {  	v4 =	vsub.f32 v4, v5;
	v2 =	vld [tilespmem:s25+$0x12500];
	v5 =	vsub.f32 v8, v7;
	v6 =	vmul.f32 v6, v11  }
0x7f: {  	v8 =	vld [tilespmem:s24+$0x14480]  }
0x80: {  	v11 =	vadd.f32 v10, v12;
	v4 =	vmul.f32 v5, v4;
	v5 =	vadd.f32 v6, v9  }
0x81: {  	v6 =	vadd.f32 v10, v13  }
0x82: {  	v9 =	vtrunc.f32 v11;
	v4 =	vadd.f32 v4, v7;
	v5 =	vmul.f32 v5, v3  }
0x83: {  	v9 =	vcvt.f32.s32 v9;
	v7 =	vtrunc.f32 v6  }
0x84: {  	v4 =	vmul.f32 v4, v2;
	v7 =	vcvt.f32.s32 v7;
	v5 =	vadd.f32 v5, v8  }
0x85: {  	v8 =	vadd.s32 $0x1, v9  }
0x86: {  	v10 =	vadd.s32 $0x4000, v7;
	v4 =	vadd.f32 v4, v5  }
0x87: {  	v5 =	vadd.s32 $0x4001, v7  }
0x88: {  	[tilespmem:s24+$0x14480] =	vst v4  }
0x89: {  	v4 =	vld.idx.msk [tilespmem:v9+s1+$0x0], $0xffff  }
0x8a: {  	v8 =	vld.idx.msk [tilespmem:v8+s1+$0x0], $0xffff  }
0x8b: {  	v10 =	vld.idx.msk [tilespmem:v10+s1+$0x0], $0xffff  }
0x8c: {  	v5 =	vld.idx.msk [tilespmem:v5+s1+$0x0], $0xffff  }
0x8d: {  	v14 =	vld [tilespmem:s24+$0x8580];
	v9 =	vcvt.s32.f32 v9;
	_ =	sdelay $0x1  }
0x8e: {  	v7 =	vcvt.s32.f32 v7;
	v9 =	vsub.f32 v11, v9;
	v8 =	vsub.f32 v8, v4;
	_ =	sdelay $0x1  }
0x8f: {  	v6 =	vsub.f32 v6, v7;
	v5 =	vsub.f32 v5, v10;
	v7 =	vmul.f32 v8, v9  }
0x90: {  	v11 =	vld [tilespmem:s24+$0x14500];
	v8 =	vadd.f32 v14, v12;
	v9 =	vadd.f32 v14, v13  }
0x91: {  	v5 =	vmul.f32 v5, v6;
	v4 =	vadd.f32 v7, v4  }
0x92: {  	v6 =	vtrunc.f32 v8;
	v7 =	vtrunc.f32 v9  }
0x93: {  	s26 =	simm.s32 $0x10;
	v14 =	vcvt.f32.s32 v7;
	v5 =	vadd.f32 v5, v10;
	v4 =	vmul.f32 v4, v3  }
0x94: {  	s31 =	sand.u32 $0x70, s26;
	s26 =	simm.s32 $0x0;
	v10 =	vcvt.f32.s32 v6  }
0x95: {  	s0 =	sor.u32 s31, s26;
	s26 =	simm.s32 $0x0;
	v7 =	vadd.s32 $0x4000, v14;
	v5 =	vmul.f32 v5, v2;
	v4 =	vadd.f32 v4, v11  }
0x96: {  	s25 =	sor.u32 s31, s26  }
0x97: {  	v18 =	vld [tilespmem:s25+$0x8480];
	v15 =	vadd.s32 $0x1, v10;
	v4 =	vadd.f32 v5, v4  }
0x98: {  	v6 =	vld [tilespmem:s0+$0x10500];
	v17 =	vadd.s32 $0x4001, v14  }
0x99: {  	v11 =	vld [tilespmem:s0+$0x10480];
	[tilespmem:s24+$0x14500] =	vst v4  }
0x9a: {  	v4 =	vld.idx.msk [tilespmem:v7+s1+$0x0], $0xffff  }
0x9b: {  	v19 =	vld.idx.msk [tilespmem:v10+s1+$0x0], $0xffff  }
0x9c: {  	v15 =	vld.idx.msk [tilespmem:v15+s1+$0x0], $0xffff  }
0x9d: {  	v17 =	vld.idx.msk [tilespmem:v17+s1+$0x0], $0xffff  }
0x9e: {  	v6 =	vmul.f32 v6, v1;
	v7 =	vmul.f32 v11, v1  }
0x9f: {  	v5 =	vld [tilespmem:s24+$0x8600];
	v10 =	vcvt.s32.f32 v10  }
0xa0: {  	v14 =	vcvt.s32.f32 v14;
	v11 =	vadd.f32 v18, v6;
	v18 =	vadd.f32 v18, v7  }
0xa1: {  	v8 =	vsub.f32 v8, v10;
	v10 =	vsub.f32 v15, v19  }
0xa2: {  	v9 =	vsub.f32 v9, v14;
	v15 =	vtrunc.f32 v11;
	v14 =	vsub.f32 v17, v4  }
0xa3: {  	v17 =	vtrunc.f32 v18;
	v8 =	vmul.f32 v10, v8  }
0xa4: {  	v20 =	vld [tilespmem:s24+$0x14580];
	v17 =	vcvt.f32.s32 v17;
	v10 =	vadd.f32 v5, v13;
	v9 =	vmul.f32 v14, v9  }
0xa5: {  	v14 =	vadd.f32 v5, v12;
	v5 =	vcvt.f32.s32 v15;
	v8 =	vadd.f32 v8, v19  }
0xa6: {  	v4 =	vadd.f32 v9, v4;
	v9 =	vadd.s32 $0x1, v17  }
0xa7: {  	v16 =	vld [tilespmem:s24+$0x8680];
	v19 =	vadd.s32 $0x4000, v5;
	v8 =	vmul.f32 v8, v3  }
0xa8: {  	v21 =	vld [tilespmem:s25+$0x8500];
	v15 =	vtrunc.f32 v10;
	v22 =	vtrunc.f32 v14;
	v23 =	vadd.s32 $0x4001, v5  }
0xa9: {  	v29 =	vld [tilespmem:s25+$0x14480];
	v24 =	vmul.f32 v4, v2;
	v8 =	vadd.f32 v8, v20;
	v20 =	vcvt.f32.s32 v22  }
0xaa: {  	v15 =	vcvt.f32.s32 v15;
	v22 =	vld.idx.msk [tilespmem:v17+s1+$0x0], $0xffff  }
0xab: {  	v9 =	vld.idx.msk [tilespmem:v9+s1+$0x0], $0xffff;
	v8 =	vadd.f32 v24, v8;
	v24 =	vadd.s32 $0x1, v20  }
0xac: {  	v25 =	vadd.s32 $0x4000, v15;
	v19 =	vld.idx.msk [tilespmem:v19+s1+$0x0], $0xffff  }
0xad: {  	v26 =	vadd.s32 $0x4001, v15;
	v23 =	vld.idx.msk [tilespmem:v23+s1+$0x0], $0xffff  }
0xae: {  	v4 =	vld [tilespmem:s0+$0x12480];
	v17 =	vcvt.s32.f32 v17;
	[tilespmem:s24+$0x14580] =	vst v8  }
0xaf: {  	v5 =	vcvt.s32.f32 v5;
	v27 =	vld.idx.msk [tilespmem:v20+s1+$0x0], $0xffff  }
0xb0: {  	v17 =	vsub.f32 v18, v17;
	v9 =	vsub.f32 v9, v22;
	v24 =	vld.idx.msk [tilespmem:v24+s1+$0x0], $0xffff  }
0xb1: {  	v11 =	vsub.f32 v11, v5;
	v15 =	vcvt.s32.f32 v15;
	v18 =	vadd.f32 v21, v6;
	v8 =	vld.idx.msk [tilespmem:v25+s1+$0x0], $0xffff  }
0xb2: {  	v25 =	vadd.f32 v21, v7;
	v21 =	vld.idx.msk [tilespmem:v26+s1+$0x0], $0xffff;
	v23 =	vsub.f32 v23, v19;
	v9 =	vmul.f32 v9, v17  }
0xb3: {  	v5 =	vld [tilespmem:s0+$0x12500];
	v10 =	vsub.f32 v10, v15;
	v28 =	vtrunc.f32 v18;
	v20 =	vcvt.s32.f32 v20  }
0xb4: {  	v17 =	vadd.f32 v16, v12;
	v11 =	vmul.f32 v23, v11;
	v9 =	vadd.f32 v9, v22  }
0xb5: {  	v26 =	vtrunc.f32 v25;
	v14 =	vsub.f32 v14, v20;
	v20 =	vsub.f32 v24, v27  }
0xb6: {  	v22 =	vcvt.f32.s32 v28;
	v11 =	vadd.f32 v11, v19;
	v9 =	vmul.f32 v9, v4  }
0xb7: {  	s28 =	simm.s32 $0x20;
	v15 =	vcvt.f32.s32 v26;
	v19 =	vsub.f32 v21, v8;
	v14 =	vmul.f32 v20, v14  }
0xb8: {  	s31 =	simm.s32 $0x0;
	s0 =	sand.u32 $0x70, s28;
	v21 =	vld [tilespmem:s24+$0x14600];
	v11 =	vmul.f32 v11, v5;
	v20 =	vadd.s32 $0x4000, v22;
	v9 =	vadd.f32 v9, v29  }
0xb9: {  	s29 =	sor.u32 s0, s31;
	v16 =	vadd.f32 v16, v13;
	v10 =	vmul.f32 v19, v10;
	v14 =	vadd.f32 v14, v27  }
0xba: {  	v23 =	vtrunc.f32 v17;
	v19 =	vld [tilespmem:s29+$0x10500];
	v26 =	vadd.s32 $0x4001, v22;
	v9 =	vadd.f32 v11, v9  }
0xbb: {  	v24 =	vadd.s32 $0x1, v15;
	v8 =	vadd.f32 v10, v8;
	v10 =	vld [tilespmem:s25+$0x8580];
	v14 =	vmul.f32 v14, v3  }
0xbc: {  	v23 =	vcvt.f32.s32 v23;
	v11 =	vld [tilespmem:s24+$0x8700];
	[tilespmem:s25+$0x14480] =	vst v9  }
0xbd: {  	v8 =	vmul.f32 v8, v2;
	v9 =	vtrunc.f32 v16;
	v20 =	vld.idx.msk [tilespmem:v20+s1+$0x0], $0xffff;
	v14 =	vadd.f32 v14, v21  }
0xbe: {  	v28 =	vld.idx.msk [tilespmem:v15+s1+$0x0], $0xffff;
	v21 =	vcvt.f32.s32 v9;
	v9 =	vadd.s32 $0x1, v23  }
0xbf: {  	v26 =	vld.idx.msk [tilespmem:v26+s1+$0x0], $0xffff;
	v8 =	vadd.f32 v8, v14  }
0xc0: {  	v14 =	vld.idx.msk [tilespmem:v24+s1+$0x0], $0xffff;
	v24 =	vadd.s32 $0x4000, v21  }
0xc1: {  	v22 =	vcvt.s32.f32 v22;
	v27 =	vld [tilespmem:s29+$0x10480];
	v29 =	vadd.s32 $0x4001, v21;
	[tilespmem:s24+$0x14600] =	vst v8  }
0xc2: {  	v15 =	vcvt.s32.f32 v15;
	v8 =	vmul.f32 v19, v1;
	v19 =	vld.idx.msk [tilespmem:v23+s1+$0x0], $0xffff  }
0xc3: {  	v18 =	vsub.f32 v18, v22;
	v32 =	vadd.f32 v10, v7;
	v30 =	vld.idx.msk [tilespmem:v9+s1+$0x0], $0xffff  }
0xc4: {  	v15 =	vsub.f32 v25, v15;
	v22 =	vsub.f32 v26, v20  }
0xc5: {  	v26 =	vadd.f32 v10, v6;
	v10 =	vtrunc.f32 v32;
	v14 =	vsub.f32 v14, v28;
	v24 =	vld.idx.msk [tilespmem:v24+s1+$0x0], $0xffff  }
0xc6: {  	v9 =	vmul.f32 v27, v1;
	v23 =	vcvt.s32.f32 v23;
	v25 =	vld.idx.msk [tilespmem:v29+s1+$0x0], $0xffff  }
0xc7: {  	v31 =	vadd.f32 v11, v12;
	v14 =	vmul.f32 v14, v15;
	v15 =	vcvt.s32.f32 v21  }
0xc8: {  	v18 =	vmul.f32 v22, v18;
	v17 =	vsub.f32 v17, v23;
	v21 =	vld [tilespmem:s25+$0x14500];
	v23 =	vsub.f32 v30, v19  }
0xc9: {  	s31 =	simm.s32 $0x0;
	v22 =	vtrunc.f32 v26;
	v14 =	vadd.f32 v14, v28;
	v15 =	vsub.f32 v16, v15  }
0xca: {  	s26 =	sor.u32 s0, s31;
	v22 =	vcvt.f32.s32 v22;
	v16 =	vadd.f32 v18, v20;
	v28 =	vadd.f32 v11, v13  }
0xcb: {  	v34 =	vld [tilespmem:s26+$0x8500];
	v17 =	vmul.f32 v23, v17;
	v20 =	vsub.f32 v25, v24;
	v14 =	vmul.f32 v14, v4  }
0xcc: {  	v27 =	vld [tilespmem:s24+$0x8780];
	v23 =	vcvt.f32.s32 v10;
	v10 =	vadd.s32 $0x4000, v22;
	v16 =	vmul.f32 v16, v5  }
0xcd: {  	v25 =	vld [tilespmem:s24+$0x14680];
	v17 =	vadd.f32 v17, v19;
	v15 =	vmul.f32 v20, v15;
	v14 =	vadd.f32 v14, v21  }
0xce: {  	v18 =	vld [tilespmem:s24+$0x8800];
	v19 =	vtrunc.f32 v31;
	v20 =	vadd.s32 $0x1, v23;
	v41 =	vcvt.s32.f32 v23  }
0xcf: {  	v21 =	vld [tilespmem:s25+$0x8600];
	v29 =	vcvt.f32.s32 v19;
	v19 =	vtrunc.f32 v28;
	v11 =	vadd.f32 v16, v14  }
0xd0: {  	v15 =	vadd.f32 v15, v24;
	v24 =	vadd.s32 $0x4001, v22;
	v14 =	vld [tilespmem:s26+$0x8480];
	v16 =	vmul.f32 v17, v3  }
0xd1: {  	v35 =	vcvt.f32.s32 v19;
	v22 =	vcvt.s32.f32 v22;
	v17 =	vld [tilespmem:s25+$0x8680];
	[tilespmem:s25+$0x14500] =	vst v11  }
0xd2: {  	v32 =	vsub.f32 v32, v41;
	v15 =	vmul.f32 v15, v2;
	v16 =	vadd.f32 v16, v25;
	v36 =	vld.idx.msk [tilespmem:v10+s1+$0x0], $0xffff  }
0xd3: {  	v19 =	vadd.s32 $0x1, v29;
	v22 =	vsub.f32 v26, v22;
	v11 =	vadd.f32 v18, v13;
	v37 =	vld.idx.msk [tilespmem:v23+s1+$0x0], $0xffff  }
0xd4: {  	v30 =	vadd.s32 $0x4000, v35;
	v10 =	vadd.f32 v18, v12;
	v33 =	vld.idx.msk [tilespmem:v20+s1+$0x0], $0xffff;
	v16 =	vadd.f32 v15, v16  }
0xd5: {  	v18 =	vadd.f32 v21, v6;
	v20 =	vadd.f32 v21, v7;
	v21 =	vadd.s32 $0x4001, v35;
	v24 =	vld.idx.msk [tilespmem:v24+s1+$0x0], $0xffff  }
0xd6: {  	v26 =	vcvt.s32.f32 v29;
	v15 =	vadd.f32 v14, v8;
	v25 =	vadd.f32 v14, v9;
	[tilespmem:s24+$0x14680] =	vst v16  }
0xd7: {  	v38 =	vtrunc.f32 v18;
	v14 =	vadd.f32 v27, v13;
	v16 =	vadd.f32 v27, v12;
	v27 =	vld.idx.msk [tilespmem:v29+s1+$0x0], $0xffff  }
0xd8: {  	v40 =	vtrunc.f32 v20;
	v13 =	vadd.f32 v17, v7;
	v23 =	vcvt.f32.s32 v38;
	v42 =	vld.idx.msk [tilespmem:v19+s1+$0x0], $0xffff  }
0xd9: {  	v39 =	vtrunc.f32 v15;
	v12 =	vtrunc.f32 v25;
	v56 =	vld.idx.msk [tilespmem:v30+s1+$0x0], $0xffff;
	v57 =	vsub.f32 v33, v37  }
0xda: {  	v19 =	vadd.f32 v34, v8;
	v30 =	vcvt.f32.s32 v39;
	v58 =	vld.idx.msk [tilespmem:v21+s1+$0x0], $0xffff;
	v24 =	vsub.f32 v24, v36  }
0xdb: {  	v33 =	vcvt.f32.s32 v12;
	v21 =	vadd.f32 v34, v9;
	v12 =	vmul.f32 v57, v32  }
0xdc: {  	v29 =	vld [tilespmem:s25+$0x14580];
	v22 =	vmul.f32 v24, v22;
	v24 =	vsub.f32 v31, v26;
	v26 =	vcvt.s32.f32 v35  }
0xdd: {  	v59 =	vadd.s32 $0x4000, v30;
	v12 =	vadd.f32 v12, v37;
	v31 =	vsub.f32 v42, v27  }
0xde: {  	v60 =	vadd.s32 $0x4001, v30;
	v22 =	vadd.f32 v22, v36;
	v26 =	vsub.f32 v28, v26  }
0xdf: {  	v62 =	vsub.f32 v58, v56;
	v28 =	vmul.f32 v12, v4;
	v61 =	vmul.f32 v31, v24  }
0xe0: {  	v39 =	vadd.s32 $0x1, v33;
	v31 =	vadd.s32 $0x4000, v23;
	v24 =	vld [tilespmem:s24+$0x14700];
	v22 =	vmul.f32 v22, v5  }
0xe1: {  	v12 =	vld [tilespmem:s29+$0x12480];
	v26 =	vmul.f32 v62, v26;
	v28 =	vadd.f32 v28, v29;
	v27 =	vadd.f32 v61, v27  }
0xe2: {  	v63 =	vtrunc.f32 v16;
	v32 =	vadd.s32 $0x4001, v23;
	v35 =	vld.idx.msk [tilespmem:v33+s1+$0x0], $0xffff;
	v29 =	vcvt.f32.s32 v40  }
0xe3: {  	v36 =	vld.idx.msk [tilespmem:v59+s1+$0x0], $0xffff;
	v26 =	vadd.f32 v26, v56;
	v37 =	vadd.f32 v22, v28;
	v28 =	vmul.f32 v27, v3  }
0xe4: {  	s30 =	simm.s32 $0x3;
	v38 =	vld.idx.msk [tilespmem:v60+s1+$0x0], $0xffff;
	v34 =	vadd.s32 $0x1, v29;
	v22 =	vcvt.f32.s32 v63;
	v27 =	vtrunc.f32 v14  }
.LBB2_5:
0xe5: {  	p0 =	sne.s32 s30, $0xFF;
	v39 =	vld.idx.msk [tilespmem:v39+s1+$0x0], $0xffff;
	[tilespmem:s25+$0x14580] =	vst v37;
	v24 =	vadd.f32 v28, v24;
	v26 =	vmul.f32 v26, v2;
	v27 =	vcvt.f32.s32 v27  }
0xe6: {  	v40 =	vtrunc.f32 v10;
	v41 =	vtrunc.f32 v11;
	v31 =	vld.idx.msk [tilespmem:v31+s1+$0x0], $0xffff;
	v37 =	vadd.s32 $0x1, v22  }
0xe7: {  	v28 =	vtrunc.f32 v13;
	v32 =	vld.idx.msk [tilespmem:v32+s1+$0x0], $0xffff;
	v24 =	vadd.f32 v26, v24;
	v26 =	vadd.s32 $0x4000, v27  }
0xe8: {  	v42 =	vtrunc.f32 v21;
	v43 =	vtrunc.f32 v19;
	v45 =	vadd.s32 $0x4001, v27;
	v44 =	vld.idx.msk [tilespmem:v29+s1+$0x0], $0xffff  }
0xe9: {  	v43 =	vcvt.f32.s32 v43;
	v28 =	vcvt.f32.s32 v28;
	v34 =	vld.idx.msk [tilespmem:v34+s1+$0x0], $0xffff;
	[tilespmem:s24+$0x14700] =	vst v24  }
0xea: {  	v27 =	vcvt.s32.f32 v27;
	v24 =	vcvt.s32.f32 v33;
	v33 =	vld.idx.msk [tilespmem:v22+s1+$0x0], $0xffff  }
0xeb: {  	v30 =	vcvt.s32.f32 v30;
	v17 =	vadd.f32 v17, v6;
	v22 =	vcvt.s32.f32 v22;
	v37 =	vld.idx.msk [tilespmem:v37+s1+$0x0], $0xffff  }
0xec: {  	v23 =	vcvt.s32.f32 v23;
	v24 =	vsub.f32 v25, v24;
	v25 =	vsub.f32 v39, v35;
	v26 =	vld.idx.msk [tilespmem:v26+s1+$0x0], $0xffff  }
0xed: {  	v30 =	vsub.f32 v15, v30;
	v29 =	vcvt.s32.f32 v29;
	v38 =	vsub.f32 v38, v36;
	v39 =	vld.idx.msk [tilespmem:v45+s1+$0x0], $0xffff  }
0xee: {  	v14 =	vsub.f32 v14, v27;
	v16 =	vsub.f32 v16, v22;
	v24 =	vmul.f32 v25, v24;
	v15 =	vld [tilespmem:s29+$0x12500]  }
0xef: {  	v18 =	vsub.f32 v18, v23;
	v20 =	vsub.f32 v20, v29;
	v25 =	vmul.f32 v38, v30;
	v22 =	vld [tilespmem:s26+$0x14480]  }
0xf0: {  	v30 =	vcvt.f32.s32 v42;
	v23 =	vadd.f32 v24, v35;
	v24 =	vsub.f32 v34, v44  }
0xf1: {  	v27 =	vadd.s32 $0x4000, v43;
	v25 =	vadd.f32 v25, v36;
	v29 =	vsub.f32 v37, v33  }
0xf2: {  	s0 =	sshrl.u32 s30, $0x3;
	s28 =	sadd.s32 $0x10, s28;
	v23 =	vmul.f32 v23, v12;
	v20 =	vmul.f32 v24, v20;
	v24 =	vsub.f32 v32, v31  }
0xf3: {  	s31 =	sand.u32 $0x70, s28;
	s29 =	sshll.u32 s0, $0x8;
	v16 =	vmul.f32 v29, v16;
	v29 =	vsub.f32 v39, v26;
	v25 =	vmul.f32 v25, v15;
	v32 =	vld [tilespmem:s25+$0x14600]  }
0xf4: {  	s29 =	sor.u32 s31, s29;
	v20 =	vadd.f32 v20, v44;
	v18 =	vmul.f32 v24, v18;
	v22 =	vadd.f32 v23, v22;
	v23 =	vld [tilespmem:s24+$0x14780]  }
0xf5: {  	v34 =	vadd.s32 $0x4001, v43;
	v16 =	vadd.f32 v16, v33;
	v14 =	vmul.f32 v29, v14;
	v24 =	vld [tilespmem:s29+$0x10500]  }
0xf6: {  	v20 =	vmul.f32 v20, v4;
	v18 =	vadd.f32 v18, v31;
	v22 =	vadd.f32 v25, v22;
	v25 =	vld [tilespmem:s25+$0x8700]  }
0xf7: {  	v29 =	vadd.s32 $0x1, v30;
	v16 =	vmul.f32 v16, v3;
	v14 =	vadd.f32 v14, v26;
	v31 =	vld [tilespmem:s26+$0x8580]  }
0xf8: {  	v18 =	vmul.f32 v18, v5;
	v26 =	vld [tilespmem:s29+$0x10480];
	[tilespmem:s26+$0x14480] =	vst v22;
	v20 =	vadd.f32 v20, v32;
	v32 =	vcvt.f32.s32 v40  }
0xf9: {  	v35 =	vcvt.f32.s32 v41;
	v14 =	vmul.f32 v14, v2;
	v33 =	vld.idx.msk [tilespmem:v27+s1+$0x0], $0xffff;
	v16 =	vadd.f32 v16, v23  }
0xfa: {  	v23 =	vmul.f32 v24, v1;
	v34 =	vld.idx.msk [tilespmem:v34+s1+$0x0], $0xffff;
	v18 =	vadd.f32 v18, v20;
	v20 =	vadd.s32 $0x1, v32  }
0xfb: {  	v22 =	vtrunc.f32 v17;
	v36 =	vld.idx.msk [tilespmem:v30+s1+$0x0], $0xffff;
	v14 =	vadd.f32 v14, v16;
	v16 =	vadd.s32 $0x4000, v35  }
0xfc: {  	v38 =	vadd.s32 $0x4001, v35;
	v37 =	vld.idx.msk [tilespmem:v29+s1+$0x0], $0xffff;
	[tilespmem:s25+$0x14600] =	vst v18;
	v18 =	vcvt.f32.s32 v22;
	v22 =	vadd.f32 v25, v7  }
0xfd: {  	v39 =	vadd.s32 $0x1, v28;
	v27 =	vadd.f32 v31, v9;
	v24 =	vadd.f32 v31, v8;
	v31 =	vld.idx.msk [tilespmem:v28+s1+$0x0], $0xffff;
	[tilespmem:s24+$0x14780] =	vst v14  }
0xfe: {  	v29 =	vmul.f32 v26, v1;
	v14 =	vadd.s32 $0x4000, v18;
	v40 =	vtrunc.f32 v22;
	v41 =	vld.idx.msk [tilespmem:v32+s1+$0x0], $0xffff  }
0xff: {  	v26 =	vtrunc.f32 v27;
	v42 =	vtrunc.f32 v24;
	v44 =	vadd.s32 $0x4001, v18;
	v20 =	vld.idx.msk [tilespmem:v20+s1+$0x0], $0xffff  }
0x100: {  	v35 =	vcvt.s32.f32 v35;
	v42 =	vcvt.f32.s32 v42;
	v16 =	vld.idx.msk [tilespmem:v16+s1+$0x0], $0xffff  }
0x101: {  	v30 =	vcvt.s32.f32 v30;
	v45 =	vcvt.f32.s32 v26;
	v26 =	vadd.f32 v25, v6;
	v25 =	vld.idx.msk [tilespmem:v38+s1+$0x0], $0xffff  }
0x102: {  	v11 =	vsub.f32 v11, v35;
	v32 =	vcvt.s32.f32 v32;
	v38 =	vcvt.s32.f32 v43;
	v39 =	vld.idx.msk [tilespmem:v39+s1+$0x0], $0xffff  }
0x103: {  	v21 =	vsub.f32 v21, v30;
	v18 =	vcvt.s32.f32 v18;
	v30 =	vsub.f32 v37, v36;
	v14 =	vld.idx.msk [tilespmem:v14+s1+$0x0], $0xffff  }
0x104: {  	v28 =	vcvt.s32.f32 v28;
	v34 =	vsub.f32 v34, v33;
	v19 =	vsub.f32 v19, v38;
	v35 =	vld.idx.msk [tilespmem:v44+s1+$0x0], $0xffff  }
0x105: {  	v10 =	vsub.f32 v10, v32;
	v21 =	vmul.f32 v30, v21;
	v20 =	vsub.f32 v20, v41  }
0x106: {  	v13 =	vsub.f32 v13, v28;
	v18 =	vsub.f32 v17, v18;
	v19 =	vmul.f32 v34, v19;
	v30 =	vld [tilespmem:s26+$0x14500]  }
0x107: {  	v17 =	vadd.f32 v21, v36;
	v10 =	vmul.f32 v20, v10;
	v20 =	vsub.f32 v25, v16  }
0x108: {  	v21 =	vadd.s32 $0x4000, v42;
	v19 =	vadd.f32 v19, v33;
	v25 =	vsub.f32 v39, v31;
	v28 =	vld [tilespmem:s24+$0x14800]  }
0x109: {  	v17 =	vmul.f32 v17, v12;
	v10 =	vadd.f32 v10, v41;
	v11 =	vmul.f32 v20, v11;
	v32 =	vld [tilespmem:s25+$0x8800]  }
0x10a: {  	v19 =	vmul.f32 v19, v15;
	v13 =	vmul.f32 v25, v13;
	v20 =	vsub.f32 v35, v14;
	v33 =	vld [tilespmem:s25+$0x8780]  }
0x10b: {  	v10 =	vmul.f32 v10, v3;
	v11 =	vadd.f32 v11, v16;
	v3 =	vmovc v4;
	v25 =	vadd.f32 v17, v30;
	v30 =	vld [tilespmem:s25+$0x14680]  }
0x10c: {  	s0 =	sshll.u32 s0, $0xA;
	v16 =	vadd.s32 $0x1, v45;
	v4 =	vmovc v12;
	v13 =	vadd.f32 v13, v31;
	v18 =	vmul.f32 v20, v18;
	v17 =	vld [tilespmem:s26+$0x8680]  }
0x10d: {  	s0 =	sor.u32 s31, s0;
	v11 =	vmul.f32 v11, v2;
	v2 =	vmovc v5;
	v12 =	vadd.f32 v19, v25;
	v19 =	vld [tilespmem:s26+$0x8600];
	v10 =	vadd.f32 v10, v28  }
0x10e: {  	v20 =	vadd.s32 $0x4001, v42;
	v5 =	vmovc v15;
	v13 =	vmul.f32 v13, v3;
	v14 =	vadd.f32 v18, v14;
	v25 =	vld [tilespmem:s0+$0x8480]  }
0x10f: {  	v15 =	vtrunc.f32 v26;
	v28 =	vld [tilespmem:s0+$0x8500];
	[tilespmem:s26+$0x14500] =	vst v12;
	v12 =	vcvt.f32.s32 v40;
	v18 =	vadd.f32 v11, v10  }
0x110: {  	v34 =	vcvt.f32.s32 v15;
	v14 =	vmul.f32 v14, v2;
	v31 =	vld.idx.msk [tilespmem:v21+s1+$0x0], $0xffff;
	v13 =	vadd.f32 v13, v30  }
0x111: {  	v10 =	vadd.f32 v32, v7;
	v11 =	vadd.f32 v32, v6;
	v35 =	vld.idx.msk [tilespmem:v45+s1+$0x0], $0xffff;
	v21 =	vadd.s32 $0x1, v12;
	[tilespmem:s24+$0x14800] =	vst v18;
	s24 =	smov.u32 s25;
	s25 =	smov.u32 s26;
	s26 =	smov.u32 s0  }
0x112: {  	v30 =	vadd.s32 $0x4000, v34;
	v32 =	vld.idx.msk [tilespmem:v16+s1+$0x0], $0xffff;
	v18 =	vadd.f32 v19, v8;
	v13 =	vadd.f32 v14, v13  }
0x113: {  	v37 =	vadd.s32 $0x4001, v34;
	v15 =	vadd.f32 v25, v23;
	v36 =	vld.idx.msk [tilespmem:v20+s1+$0x0], $0xffff;
	v20 =	vadd.f32 v19, v9  }
0x114: {  	v14 =	vadd.f32 v33, v6;
	v6 =	vmovc v8;
	v25 =	vadd.f32 v25, v29;
	v38 =	vtrunc.f32 v18;
	[tilespmem:s24+$0x14680] =	vst v13  }
0x115: {  	v16 =	vadd.f32 v33, v7;
	v8 =	vmovc v23;
	v7 =	vmovc v9;
	v39 =	vtrunc.f32 v15;
	v40 =	vtrunc.f32 v20;
	v41 =	vld.idx.msk [tilespmem:v12+s1+$0x0], $0xffff  }
0x116: {  	v43 =	vcvt.s32.f32 v45;
	v9 =	vmovc v29;
	v13 =	vadd.f32 v17, v7;
	v33 =	vtrunc.f32 v25;
	v44 =	vld.idx.msk [tilespmem:v21+s1+$0x0], $0xffff  }
0x117: {  	v19 =	vadd.f32 v28, v8;
	v23 =	vcvt.f32.s32 v38;
	v21 =	vcvt.s32.f32 v42;
	v38 =	vld.idx.msk [tilespmem:v30+s1+$0x0], $0xffff  }
0x118: {  	v27 =	vsub.f32 v27, v43;
	v30 =	vcvt.f32.s32 v39;
	v29 =	vsub.f32 v32, v35;
	v32 =	vld.idx.msk [tilespmem:v37+s1+$0x0], $0xffff  }
0x119: {  	v12 =	vcvt.s32.f32 v12;
	v24 =	vsub.f32 v24, v21;
	v36 =	vsub.f32 v36, v31  }
0x11a: {  	v33 =	vcvt.f32.s32 v33;
	v21 =	vadd.f32 v28, v9;
	v27 =	vmul.f32 v29, v27  }
0x11b: {  	v12 =	vsub.f32 v22, v12;
	v22 =	vcvt.s32.f32 v34;
	v24 =	vmul.f32 v36, v24;
	v28 =	vld [tilespmem:s25+$0x14580]  }
0x11c: {  	v34 =	vadd.s32 $0x4000, v30;
	v27 =	vadd.f32 v27, v35;
	v29 =	vsub.f32 v44, v41  }
0x11d: {  	v42 =	vadd.s32 $0x4001, v30;
	v22 =	vsub.f32 v26, v22;
	v24 =	vadd.f32 v24, v31  }
0x11e: {  	v26 =	vmul.f32 v27, v4;
	v27 =	vmul.f32 v29, v12;
	v29 =	vsub.f32 v32, v38  }
.Ltmp1:
0x11f: {  	v39 =	vadd.s32 $0x1, v33;
	v31 =	vadd.s32 $0x4000, v23;
	v37 =	vmul.f32 v24, v5;
	v24 =	vld [tilespmem:s24+$0x14700];
	(pc) =	sbr.rel @p0 .LBB2_5-.Ltmp1, $4  }
0x120: {  	v27 =	vadd.f32 v27, v41;
	v22 =	vmul.f32 v29, v22;
	v12 =	vld [tilespmem:s29+$0x12480];
	v26 =	vadd.f32 v26, v28  }
0x121: {  	v32 =	vadd.s32 $0x4001, v23;
	v29 =	vcvt.f32.s32 v40;
	v40 =	vtrunc.f32 v16;
	v35 =	vld.idx.msk [tilespmem:v33+s1+$0x0], $0xffff  }
0x122: {  	v28 =	vmul.f32 v27, v3;
	v36 =	vld.idx.msk [tilespmem:v34+s1+$0x0], $0xffff;
	v37 =	vadd.f32 v37, v26;
	v26 =	vadd.f32 v22, v38  }
0x123: {  	s30 =	sadd.s32 $0x1, s30;
	v27 =	vtrunc.f32 v14;
	v34 =	vadd.s32 $0x1, v29;
	v22 =	vcvt.f32.s32 v40;
	v38 =	vld.idx.msk [tilespmem:v42+s1+$0x0], $0xffff  }
0x124: {  	_ =	sdelay $0x3  }
0x125: {  	v39 =	vld.idx.msk [tilespmem:v39+s1+$0x0], $0xffff;
	_ =	sdelay $0x2  }
0x126: {  	v33 =	vcvt.s32.f32 v33;
	_ =	sdelay $0x1  }
0x127: {  	v30 =	vcvt.s32.f32 v30;
	v25 =	vsub.f32 v25, v33;
	v44 =	vsub.f32 v39, v35;
	_ =	sdelay $0x1  }
0x128: {  	v45 =	vld [tilespmem:s26+$0x14480];
	v30 =	vsub.f32 v15, v30;
	v38 =	vsub.f32 v38, v36;
	v25 =	vmul.f32 v44, v25  }
0x129: {  	v15 =	vld [tilespmem:s29+$0x12500]  }
0x12a: {  	v30 =	vmul.f32 v38, v30;
	v25 =	vadd.f32 v25, v35;
	_ =	sdelay $0x1  }
0x12b: {  	v46 =	vtrunc.f32 v21;
	v30 =	vadd.f32 v30, v36;
	v25 =	vmul.f32 v25, v12  }
0x12c: {  	v47 =	vtrunc.f32 v19;
	v35 =	vcvt.f32.s32 v46  }
0x12d: {  	v36 =	vcvt.f32.s32 v47;
	v30 =	vmul.f32 v30, v15;
	v25 =	vadd.f32 v25, v45  }
0x12e: {  	v48 =	vadd.s32 $0x1, v35  }
0x12f: {  	v49 =	vadd.s32 $0x4000, v36;
	v25 =	vadd.f32 v30, v25  }
0x130: {  	v50 =	vadd.s32 $0x4001, v36  }
0x131: {  	[tilespmem:s26+$0x14480] =	vst v25  }
0x132: {  	v25 =	vld.idx.msk [tilespmem:v35+s1+$0x0], $0xffff  }
0x133: {  	v33 =	vld.idx.msk [tilespmem:v48+s1+$0x0], $0xffff  }
0x134: {  	v38 =	vld.idx.msk [tilespmem:v49+s1+$0x0], $0xffff  }
0x135: {  	v30 =	vld.idx.msk [tilespmem:v50+s1+$0x0], $0xffff  }
0x136: {  	v35 =	vcvt.s32.f32 v35  }
0x137: {  	v51 =	vld [tilespmem:s26+$0x8580]  }
0x138: {  	v36 =	vcvt.s32.f32 v36;
	v52 =	vsub.f32 v21, v35;
	v33 =	vsub.f32 v33, v25;
	_ =	sdelay $0x1  }
0x139: {  	v53 =	vsub.f32 v19, v36;
	v30 =	vsub.f32 v30, v38;
	v21 =	vmul.f32 v33, v52  }
0x13a: {  	v54 =	vld [tilespmem:s26+$0x14500]  }
0x13b: {  	v55 =	vadd.f32 v51, v9;
	v19 =	vmul.f32 v30, v53;
	v21 =	vadd.f32 v21, v25  }
0x13c: {  	v56 =	vadd.f32 v51, v8  }
0x13d: {  	v57 =	vtrunc.f32 v55;
	v19 =	vadd.f32 v19, v38;
	v21 =	vmul.f32 v21, v12  }
0x13e: {  	v58 =	vtrunc.f32 v56;
	v30 =	vcvt.f32.s32 v57  }
0x13f: {  	v36 =	vcvt.f32.s32 v58;
	v19 =	vmul.f32 v19, v15;
	v21 =	vadd.f32 v21, v54  }
0x140: {  	v59 =	vadd.s32 $0x1, v30  }
0x141: {  	v60 =	vadd.s32 $0x4000, v36;
	v19 =	vadd.f32 v19, v21  }
0x142: {  	v40 =	vadd.s32 $0x4001, v36  }
0x143: {  	[tilespmem:s26+$0x14500] =	vst v19  }
0x144: {  	v19 =	vld.idx.msk [tilespmem:v30+s1+$0x0], $0xffff  }
0x145: {  	v33 =	vld.idx.msk [tilespmem:v59+s1+$0x0], $0xffff  }
0x146: {  	v38 =	vld.idx.msk [tilespmem:v60+s1+$0x0], $0xffff  }
0x147: {  	v40 =	vld.idx.msk [tilespmem:v40+s1+$0x0], $0xffff  }
0x148: {  	v30 =	vcvt.s32.f32 v30  }
0x149: {  	v61 =	vld [tilespmem:s26+$0x8600]  }
0x14a: {  	[tilespmem:s25+$0x14580] =	vst v37;
	v36 =	vcvt.s32.f32 v36;
	v30 =	vsub.f32 v55, v30;
	v33 =	vsub.f32 v33, v19  }
0x14b: {  	v62 =	vld.idx.msk [tilespmem:v29+s1+$0x0], $0xffff  }
0x14c: {  	v43 =	vld.idx.msk [tilespmem:v31+s1+$0x0], $0xffff;
	v25 =	vsub.f32 v56, v36;
	v63 =	vsub.f32 v40, v38;
	v30 =	vmul.f32 v33, v30  }
0x14d: {  	v40 =	vld [tilespmem:s26+$0x14580]  }
0x14e: {  	v32 =	vld.idx.msk [tilespmem:v32+s1+$0x0], $0xffff;
	v41 =	vadd.f32 v61, v9;
	v25 =	vmul.f32 v63, v25;
	v19 =	vadd.f32 v30, v19  }
0x14f: {  	v42 =	vcvt.s32.f32 v29;
	v23 =	vcvt.s32.f32 v23;
	v34 =	vld.idx.msk [tilespmem:v34+s1+$0x0], $0xffff;
	v21 =	vadd.f32 v61, v8  }
0x150: {  	v44 =	vtrunc.f32 v41;
	v25 =	vadd.f32 v25, v38;
	v19 =	vmul.f32 v19, v12  }
0x151: {  	v20 =	vsub.f32 v20, v42;
	v31 =	vcvt.f32.s32 v44;
	v45 =	vtrunc.f32 v21  }
0x152: {  	v36 =	vcvt.f32.s32 v45;
	v25 =	vmul.f32 v25, v15;
	v19 =	vadd.f32 v19, v40  }
0x153: {  	v18 =	vsub.f32 v18, v23;
	v47 =	vadd.s32 $0x1, v31;
	v50 =	vsub.f32 v32, v43  }
0x154: {  	v46 =	vsub.f32 v34, v62;
	v48 =	vadd.s32 $0x4000, v36;
	v19 =	vadd.f32 v25, v19  }
0x155: {  	v18 =	vmul.f32 v50, v18;
	v49 =	vadd.s32 $0x4001, v36  }
0x156: {  	v51 =	vld [tilespmem:s25+$0x14600];
	v20 =	vmul.f32 v46, v20;
	[tilespmem:s26+$0x14580] =	vst v19  }
0x157: {  	v18 =	vadd.f32 v18, v43;
	v53 =	vld.idx.msk [tilespmem:v31+s1+$0x0], $0xffff  }
0x158: {  	v52 =	vadd.f32 v20, v62;
	v54 =	vld.idx.msk [tilespmem:v47+s1+$0x0], $0xffff  }
0x159: {  	v17 =	vadd.f32 v17, v6;
	v58 =	vcvt.s32.f32 v31;
	v18 =	vmul.f32 v18, v5;
	v56 =	vld.idx.msk [tilespmem:v48+s1+$0x0], $0xffff  }
0x15a: {  	v55 =	vtrunc.f32 v13;
	v19 =	vmul.f32 v52, v4;
	v25 =	vld.idx.msk [tilespmem:v49+s1+$0x0], $0xffff  }
0x15b: {  	v39 =	vld [tilespmem:s26+$0x8680];
	v57 =	vtrunc.f32 v17;
	v32 =	vcvt.f32.s32 v55  }
0x15c: {  	v29 =	vcvt.f32.s32 v57;
	v60 =	vcvt.s32.f32 v36;
	v19 =	vadd.f32 v19, v51  }
0x15d: {  	v59 =	vadd.s32 $0x1, v32;
	v30 =	vsub.f32 v41, v58;
	v23 =	vsub.f32 v54, v53  }
0x15e: {  	v61 =	vadd.s32 $0x4000, v29;
	v18 =	vadd.f32 v18, v19  }
0x15f: {  	v21 =	vsub.f32 v21, v60;
	v25 =	vsub.f32 v25, v56;
	v23 =	vmul.f32 v23, v30  }
0x160: {  	v34 =	vadd.f32 v39, v9;
	v62 =	vadd.s32 $0x4001, v29;
	v38 =	vld [tilespmem:s26+$0x14600];
	[tilespmem:s25+$0x14600] =	vst v18  }
0x161: {  	v43 =	vadd.f32 v39, v8;
	v40 =	vld.idx.msk [tilespmem:v32+s1+$0x0], $0xffff;
	v21 =	vmul.f32 v25, v21;
	v20 =	vadd.f32 v23, v53  }
0x162: {  	v44 =	vtrunc.f32 v34;
	v41 =	vld.idx.msk [tilespmem:v59+s1+$0x0], $0xffff  }
0x163: {  	v46 =	vtrunc.f32 v43;
	v63 =	vld [tilespmem:s25+$0x8700];
	v21 =	vadd.f32 v21, v56;
	v20 =	vmul.f32 v20, v12  }
0x164: {  	v24 =	vadd.f32 v28, v24;
	v42 =	vcvt.s32.f32 v32;
	v19 =	vld.idx.msk [tilespmem:v61+s1+$0x0], $0xffff;
	v32 =	vcvt.f32.s32 v44  }
0x165: {  	v48 =	vcvt.f32.s32 v46;
	v45 =	vld.idx.msk [tilespmem:v62+s1+$0x0], $0xffff;
	v47 =	vmul.f32 v21, v15;
	v18 =	vadd.f32 v20, v38  }
0x166: {  	v26 =	vmul.f32 v26, v2;
	v49 =	vsub.f32 v13, v42;
	v50 =	vadd.s32 $0x1, v32  }
0x167: {  	v51 =	vadd.s32 $0x4000, v48;
	v23 =	vsub.f32 v41, v40;
	v18 =	vadd.f32 v47, v18  }
0x168: {  	v29 =	vcvt.s32.f32 v29;
	v53 =	vadd.s32 $0x4001, v48  }
0x169: {  	v24 =	vadd.f32 v26, v24;
	v55 =	vld [tilespmem:s25+$0x14680];
	v57 =	vadd.f32 v63, v7;
	v13 =	vmul.f32 v23, v49;
	[tilespmem:s26+$0x14600] =	vst v18  }
0x16a: {  	v27 =	vcvt.f32.s32 v27;
	v17 =	vsub.f32 v17, v29;
	v54 =	vsub.f32 v45, v19;
	v58 =	vld.idx.msk [tilespmem:v32+s1+$0x0], $0xffff  }
0x16b: {  	v61 =	vtrunc.f32 v57;
	v62 =	vadd.f32 v63, v6;
	v13 =	vadd.f32 v13, v40;
	v60 =	vld.idx.msk [tilespmem:v50+s1+$0x0], $0xffff  }
0x16c: {  	[tilespmem:s24+$0x14700] =	vst v24;
	v24 =	vcvt.f32.s32 v61;
	v17 =	vmul.f32 v54, v17;
	v20 =	vld.idx.msk [tilespmem:v51+s1+$0x0], $0xffff  }
0x16d: {  	v36 =	vtrunc.f32 v62;
	v13 =	vmul.f32 v13, v4;
	v63 =	vld.idx.msk [tilespmem:v53+s1+$0x0], $0xffff  }
0x16e: {  	v52 =	vld [tilespmem:s26+$0x8700];
	v56 =	vadd.s32 $0x1, v22;
	v17 =	vadd.f32 v17, v19;
	v32 =	vcvt.s32.f32 v32  }
0x16f: {  	v36 =	vcvt.f32.s32 v36;
	v21 =	vcvt.s32.f32 v48;
	v13 =	vadd.f32 v13, v55  }
0x170: {  	v17 =	vmul.f32 v17, v5;
	v32 =	vsub.f32 v34, v32;
	v23 =	vsub.f32 v60, v58  }
0x171: {  	v41 =	vadd.s32 $0x1, v24;
	v42 =	vadd.s32 $0x4000, v36;
	v21 =	vsub.f32 v43, v21  }
0x172: {  	v35 =	vld.idx.msk [tilespmem:v22+s1+$0x0], $0xffff;
	v13 =	vadd.f32 v17, v13;
	v19 =	vsub.f32 v63, v20;
	v23 =	vmul.f32 v23, v32  }
0x173: {  	v29 =	vadd.f32 v52, v8;
	v44 =	vld [tilespmem:s26+$0x14680];
	v45 =	vadd.f32 v52, v9;
	v43 =	vadd.s32 $0x4001, v36  }
0x174: {  	v59 =	vadd.s32 $0x4000, v27;
	v18 =	vld.idx.msk [tilespmem:v56+s1+$0x0], $0xffff;
	[tilespmem:s25+$0x14680] =	vst v13;
	v19 =	vmul.f32 v19, v21;
	v23 =	vadd.f32 v23, v58  }
0x175: {  	v48 =	vtrunc.f32 v45;
	v40 =	vadd.s32 $0x4001, v27;
	v46 =	vld.idx.msk [tilespmem:v24+s1+$0x0], $0xffff  }
0x176: {  	v51 =	vtrunc.f32 v29;
	v47 =	vld.idx.msk [tilespmem:v41+s1+$0x0], $0xffff;
	v19 =	vadd.f32 v19, v20;
	v23 =	vmul.f32 v23, v12  }
0x177: {  	v50 =	vcvt.f32.s32 v48;
	v37 =	vcvt.f32.s32 v51;
	v31 =	vld.idx.msk [tilespmem:v42+s1+$0x0], $0xffff  }
0x178: {  	v24 =	vcvt.s32.f32 v24;
	v32 =	vld.idx.msk [tilespmem:v43+s1+$0x0], $0xffff;
	v19 =	vmul.f32 v19, v15;
	v23 =	vadd.f32 v23, v44  }
0x179: {  	v28 =	vld.idx.msk [tilespmem:v59+s1+$0x0], $0xffff;
	v53 =	vcvt.s32.f32 v22;
	v52 =	vadd.s32 $0x1, v50;
	v54 =	vadd.s32 $0x4000, v37  }
0x17a: {  	v56 =	vld [tilespmem:s26+$0x8780];
	v24 =	vsub.f32 v57, v24;
	v57 =	vcvt.s32.f32 v36;
	v19 =	vadd.f32 v19, v23  }
0x17b: {  	v49 =	vld.idx.msk [tilespmem:v40+s1+$0x0], $0xffff;
	v16 =	vsub.f32 v16, v53;
	v18 =	vsub.f32 v18, v35;
	v41 =	vadd.s32 $0x4001, v37  }
0x17c: {  	v27 =	vcvt.s32.f32 v27;
	v17 =	vld [tilespmem:s25+$0x8780];
	v43 =	vcvt.s32.f32 v50;
	v22 =	vsub.f32 v62, v57;
	[tilespmem:s26+$0x14680] =	vst v19  }
0x17d: {  	v16 =	vmul.f32 v18, v16;
	v55 =	vsub.f32 v47, v46;
	v60 =	vsub.f32 v32, v31;
	v59 =	vld.idx.msk [tilespmem:v50+s1+$0x0], $0xffff  }
0x17e: {  	v14 =	vsub.f32 v14, v27;
	v13 =	vsub.f32 v45, v43;
	v45 =	vcvt.s32.f32 v37;
	v61 =	vld.idx.msk [tilespmem:v52+s1+$0x0], $0xffff  }
0x17f: {  	v16 =	vadd.f32 v16, v35;
	v24 =	vmul.f32 v55, v24;
	v22 =	vmul.f32 v60, v22;
	v63 =	vld.idx.msk [tilespmem:v54+s1+$0x0], $0xffff  }
0x180: {  	v38 =	vtrunc.f32 v10;
	v20 =	vsub.f32 v49, v28;
	v25 =	vsub.f32 v29, v45;
	v41 =	vld.idx.msk [tilespmem:v41+s1+$0x0], $0xffff  }
0x181: {  	v58 =	vld [tilespmem:s25+$0x14700];
	v16 =	vmul.f32 v16, v3;
	v62 =	vadd.f32 v24, v46;
	v22 =	vadd.f32 v22, v31  }
0x182: {  	v14 =	vmul.f32 v20, v14;
	v19 =	vadd.f32 v17, v7;
	v17 =	vadd.f32 v17, v6  }
0x183: {  	v18 =	vmul.f32 v62, v4;
	v22 =	vmul.f32 v22, v5;
	v46 =	vsub.f32 v61, v59  }
0x184: {  	v50 =	vadd.f32 v56, v9;
	v39 =	vtrunc.f32 v19;
	v44 =	vtrunc.f32 v17  }
0x185: {  	v23 =	vcvt.f32.s32 v39;
	v24 =	vsub.f32 v41, v63;
	v13 =	vmul.f32 v46, v13  }
0x186: {  	v49 =	vld [tilespmem:s26+$0x14700];
	v54 =	vadd.f32 v56, v8;
	v18 =	vadd.f32 v18, v58;
	v48 =	vcvt.f32.s32 v44  }
0x187: {  	v47 =	vadd.s32 $0x1, v23;
	v24 =	vmul.f32 v24, v25;
	v13 =	vadd.f32 v13, v59  }
0x188: {  	v51 =	vld [tilespmem:s24+$0x14780];
	v56 =	vtrunc.f32 v50;
	v18 =	vadd.f32 v22, v18;
	v52 =	vadd.s32 $0x4000, v48  }
0x189: {  	v34 =	vld [tilespmem:s25+$0x8800];
	v53 =	vadd.s32 $0x4001, v48;
	v21 =	vadd.f32 v24, v63;
	v13 =	vmul.f32 v13, v12  }
0x18a: {  	v58 =	vcvt.f32.s32 v56;
	[tilespmem:s25+$0x14700] =	vst v18;
	v59 =	vtrunc.f32 v54  }
0x18b: {  	v55 =	vld.idx.msk [tilespmem:v23+s1+$0x0], $0xffff;
	v60 =	vcvt.f32.s32 v59;
	v21 =	vmul.f32 v21, v15;
	v13 =	vadd.f32 v13, v49  }
0x18c: {  	v32 =	vcvt.f32.s32 v38;
	v14 =	vadd.f32 v14, v28;
	v61 =	vadd.s32 $0x1, v58;
	v57 =	vld.idx.msk [tilespmem:v47+s1+$0x0], $0xffff  }
0x18d: {  	v16 =	vadd.f32 v16, v51;
	v26 =	vld.idx.msk [tilespmem:v52+s1+$0x0], $0xffff;
	v62 =	vadd.s32 $0x4000, v60;
	v13 =	vadd.f32 v21, v13  }
0x18e: {  	v14 =	vmul.f32 v14, v2;
	v7 =	vadd.f32 v34, v7;
	v63 =	vld.idx.msk [tilespmem:v53+s1+$0x0], $0xffff;
	v36 =	vadd.s32 $0x4001, v60  }
0x18f: {  	v40 =	vld [tilespmem:s26+$0x8800];
	v42 =	vtrunc.f32 v11;
	v43 =	vadd.s32 $0x1, v32;
	[tilespmem:s26+$0x14700] =	vst v13  }
0x190: {  	v14 =	vadd.f32 v14, v16;
	v45 =	vtrunc.f32 v7;
	v23 =	vcvt.s32.f32 v23;
	v39 =	vld.idx.msk [tilespmem:v58+s1+$0x0], $0xffff  }
0x191: {  	v6 =	vadd.f32 v34, v6;
	v20 =	vcvt.s32.f32 v48;
	v13 =	vcvt.f32.s32 v42;
	v42 =	vld.idx.msk [tilespmem:v61+s1+$0x0], $0xffff  }
0x192: {  	v31 =	vcvt.s32.f32 v58;
	v19 =	vsub.f32 v19, v23;
	v37 =	vsub.f32 v57, v55;
	v44 =	vld.idx.msk [tilespmem:v62+s1+$0x0], $0xffff  }
0x193: {  	v17 =	vsub.f32 v17, v20;
	v22 =	vcvt.s32.f32 v60;
	v25 =	vsub.f32 v63, v26;
	v46 =	vld.idx.msk [tilespmem:v36+s1+$0x0], $0xffff  }
0x194: {  	v48 =	vtrunc.f32 v6;
	v50 =	vsub.f32 v50, v31;
	v41 =	vmul.f32 v37, v19  }
0x195: {  	v38 =	vld [tilespmem:s25+$0x14780];
	v59 =	vadd.f32 v40, v8;
	v18 =	vsub.f32 v54, v22;
	v17 =	vmul.f32 v25, v17  }
0x196: {  	v52 =	vcvt.f32.s32 v48;
	v16 =	vadd.f32 v41, v55;
	v19 =	vsub.f32 v42, v39  }
0x197: {  	v21 =	vcvt.f32.s32 v45;
	v17 =	vadd.f32 v17, v26;
	v47 =	vadd.s32 $0x4000, v13  }
0x198: {  	v16 =	vmul.f32 v16, v4;
	v51 =	vsub.f32 v46, v44;
	v19 =	vmul.f32 v19, v50  }
0x199: {  	v54 =	vld [tilespmem:s26+$0x14780];
	v55 =	vadd.f32 v40, v9;
	v49 =	vadd.s32 $0x4001, v13;
	v17 =	vmul.f32 v17, v5  }
0x19a: {  	[tilespmem:s24+$0x14780] =	vst v14;
	v16 =	vadd.f32 v16, v38;
	v18 =	vmul.f32 v51, v18;
	v56 =	vadd.f32 v19, v39  }
0x19b: {  	v60 =	vld.idx.msk [tilespmem:v43+s1+$0x0], $0xffff;
	v53 =	vadd.s32 $0x1, v21;
	v58 =	vadd.s32 $0x4000, v52;
	v61 =	vtrunc.f32 v55  }
0x19c: {  	v57 =	vld.idx.msk [tilespmem:v32+s1+$0x0], $0xffff;
	v16 =	vadd.f32 v17, v16;
	v18 =	vadd.f32 v18, v44;
	v14 =	vmul.f32 v56, v12  }
0x19d: {  	v33 =	vtrunc.f32 v59;
	v63 =	vadd.s32 $0x4001, v52;
	v23 =	vcvt.f32.s32 v61;
	v62 =	vld.idx.msk [tilespmem:v47+s1+$0x0], $0xffff  }
0x19e: {  	v37 =	vcvt.f32.s32 v33;
	v35 =	vld.idx.msk [tilespmem:v49+s1+$0x0], $0xffff;
	[tilespmem:s25+$0x14780] =	vst v16;
	v36 =	vmul.f32 v18, v15;
	v14 =	vadd.f32 v14, v54  }
0x19f: {  	v38 =	vld.idx.msk [tilespmem:v21+s1+$0x0], $0xffff;
	v39 =	vadd.s32 $0x1, v23  }
0x1a0: {  	v40 =	vadd.s32 $0x4000, v37;
	v25 =	vld.idx.msk [tilespmem:v53+s1+$0x0], $0xffff;
	v14 =	vadd.f32 v36, v14  }
0x1a1: {  	v42 =	vadd.s32 $0x4001, v37;
	v17 =	vld.idx.msk [tilespmem:v58+s1+$0x0], $0xffff  }
0x1a2: {  	v41 =	vcvt.s32.f32 v32;
	v27 =	vld.idx.msk [tilespmem:v63+s1+$0x0], $0xffff;
	[tilespmem:s26+$0x14780] =	vst v14  }
0x1a3: {  	v45 =	vld.idx.msk [tilespmem:v23+s1+$0x0], $0xffff  }
0x1a4: {  	v52 =	vcvt.s32.f32 v52;
	v13 =	vcvt.s32.f32 v13;
	v43 =	vsub.f32 v10, v41;
	v28 =	vld.idx.msk [tilespmem:v39+s1+$0x0], $0xffff  }
0x1a5: {  	v49 =	vcvt.s32.f32 v21;
	v51 =	vcvt.s32.f32 v23;
	v44 =	vsub.f32 v60, v57;
	v48 =	vld.idx.msk [tilespmem:v40+s1+$0x0], $0xffff  }
0x1a6: {  	v6 =	vsub.f32 v6, v52;
	v46 =	vsub.f32 v11, v13;
	v50 =	vld.idx.msk [tilespmem:v42+s1+$0x0], $0xffff  }
0x1a7: {  	v7 =	vsub.f32 v7, v49;
	v9 =	vsub.f32 v55, v51;
	v10 =	vmul.f32 v44, v43  }
0x1a8: {  	v47 =	vsub.f32 v35, v62;
	v53 =	vsub.f32 v25, v38  }
0x1a9: {  	v18 =	vcvt.s32.f32 v37;
	v10 =	vadd.f32 v10, v57;
	v55 =	vsub.f32 v28, v45  }
0x1aa: {  	v11 =	vmul.f32 v47, v46;
	v54 =	vld [tilespmem:s24+$0x14800];
	v56 =	vsub.f32 v27, v17;
	v7 =	vmul.f32 v53, v7  }
0x1ab: {  	v57 =	vld [tilespmem:s25+$0x14800];
	v8 =	vsub.f32 v59, v18;
	v58 =	vsub.f32 v50, v48;
	v9 =	vmul.f32 v55, v9  }
0x1ac: {  	v59 =	vld [tilespmem:s26+$0x14800];
	v11 =	vadd.f32 v11, v62;
	v6 =	vmul.f32 v56, v6;
	v7 =	vadd.f32 v7, v38  }
0x1ad: {  	v3 =	vmul.f32 v10, v3;
	v8 =	vmul.f32 v58, v8;
	v9 =	vadd.f32 v9, v45  }
0x1ae: {  	v2 =	vmul.f32 v11, v2;
	v6 =	vadd.f32 v6, v17;
	v60 =	vmul.f32 v7, v4  }
0x1af: {  	s23 =	sadd.s32 $0x1, s23;
	v3 =	vadd.f32 v3, v54;
	v8 =	vadd.f32 v8, v48;
	v61 =	vmul.f32 v9, v12  }
0x1b0: {  	p0 =	sne.s32 s23, $0x40;
	v62 =	vmul.f32 v6, v5;
	v4 =	vadd.f32 v60, v57  }
.Ltmp2:
0x1b1: {  	v2 =	vadd.f32 v2, v3;
	v63 =	vmul.f32 v8, v15;
	v3 =	vadd.f32 v61, v59;
	(pc) =	sbr.rel @p0 .LBB2_4-.Ltmp2, $4  }
0x1b2: {  	v4 =	vadd.f32 v62, v4  }
0x1b3: {  	[tilespmem:s24+$0x14800] =	vst v2;
	v2 =	vadd.f32 v63, v3  }
0x1b4: {  	[tilespmem:s25+$0x14800] =	vst v4  }
0x1b5: {  	[tilespmem:s26+$0x14800] =	vst v2  }
0x1b6: {  	s21 =	sadd.s32 $0x1, s21  }
0x1b7: {  	p0 =	sne.s32 s21, s11  }
.Ltmp3:
0x1b8: {  	_ = 	snop;
	(pc) =	sbr.rel @p0 .LBB2_1-.Ltmp3, $4  }
0x1b9: {  	[hbm4b:s10+s1] =	stream.linear.scatter [tilespmem:s20], [sflag:$0x1], $0x8000, $0x38;
	[tilespmem:$0x1C480] =	vst v63  }
0x1ba: {  	_ =	swait.ge [sflag:s13], $0x8000  }
0x1bb: {  	[sflag:s13] =	ssyncset.done $0x0  }
0x1bc: {  	[sflag:s13] =	ssyncadd.s32 $0xFFFF8000  }
0x1bd: {  	_ =	sfence.sel $0x180000  }
0x1be: {  	[bflag:$0x0] =	sbarrier.arrive $0xFFFF  }
0x1bf: {  	_ =	strace $0x9000004D  }
0x1c0: {  	[bflag:$0x2] =	sbarrier.arrive $0xFFFF  }
0x1c1: {  	p0 =	sne.s32 s2, $0x0;
	s0 =	rddreg [dreg:$0x2]  }
0x1c2: {  	s0 =	sadd.s32 @!p0 $0x100000, s0  }
0x1c3: {  	[sflag:s0] =	ssyncadd.tile.s32 @!p0 $0x1;
	_ =	shalt  }
.Lfunc_end2:
_tile_overlayer_lowered:
.L_overlay_start_2:
0x1c4: {  	(tag) =	ssettag $0x2  }
0x1c5: {  	s0 =	rddreg [dreg:$0x0];
	s2 =	stileid.u32  }
0x1c6: {  	s1 =	rddreg [dreg:$0x1];
	p0 =	sne.s32 s2, $0x0  }
0x1c7: {  	s3 =	rddreg [dreg:$0x2];
	[bflag:$0x3] =	sbarrier.arrive $0xFFFF;
	s2 =	simm.s32 @!p0 $0x1C01  }
0x1c8: {  	[timem:s3], [sflag:s2] =	dma.local @!p0 [hbm:s0], s1  }
0x1c9: {  	s0 =	simm.s32 @!p0 $0x1  }
0x1ca: {  	_ =	swait.ge @!p0 [sflag:s0], s1  }
0x1cb: {  	s1 =	ssub.s32 @!p0 $0x0, s1;
	[sflag:s0] =	ssyncset.done @!p0 $0x0  }
0x1cc: {  	[sflag:s0] =	ssyncadd.s32 @!p0 s1  }
0x1cd: {  	[bflag:$0x3] =	sbarrier.arrive $0xFFFF  }
0x1ce: {  	_ =	shalt  }

// kernel: sparse-core-data-format-call.1.cloned.1.call-start
scs
called_computation.1_lowered:
.L_overlay_start_0:
0x0: {  	s2 =	sld [smem:$0x3FD9]  }
0x1: {  	s3 =	sld [smem:$0x3FFE];
	_ =	sdelay $0x1  }
0x2: {  	s1 =	srdreg.scid  }
0x3: {  	s0 =	sand.u32 $0x1, s1  }
0x4: {  	s18 =	sshll.u32 s0, $0xA;
	s2 =	sadd.s32 s3, s2  }
0x5: {  	s2 =	sadd.s32 s2, s18  }
0x6: {  	[smem:$0x3FC1] =	sst s2  }
0x7: {  	_ = 	snop  }
0x8: {  	s2 =	sld [smem:$0x3FC6];
	(tm) =	ssettm $0x1  }
0x9: {  	s19 =	sld [smem:$0x3FFB];
	_ =	sdelay $0x3  }
0xa: {  	_ =	strace s19  }
0xb: {  	s3 =	sld [smem:$0x3FFC];
	_ =	sdelay $0x3  }
0xc: {  	_ =	strace s3  }
0xd: {  	s3 =	sld [smem:$0x3FFD];
	_ =	sdelay $0x3  }
0xe: {  	_ =	strace s3  }
0xf: {  	_ =	strace $0x8FFFFFFF  }
0x10: {  	s20 =	sld [smem:$0x3FDB];
	_ =	sdelay $0x1  }
0x11: {  	s4 =	simm.s32 $_scs_section_size  }
0x12: {  	s5 =	simm.s32 $_size__tile_overlayer_lowered;
	s6 =	simm.s32 $_tile_overlayer_lowered  }
0x13: {  	s23 =	simm.s32 $0x1BFF;
	s22 =	sshll.u32 s6, $0x1;
	s3 =	sadd.s32 s4, s20  }
0x14: {  	s7 =	simm.s32 $0x0;
	s21 =	sshll.u32 s5, $0x1;
	s5 =	sadd.s32 s22, s3  }
0x15: {  	[timem:s7], [sflag:s23] =	dma.local [hbm:s5], s21  }
0x16: {  	_ =	swait.ge [sflag:s23], s21  }
0x17: {  	s4 =	ssub.s32 $0x0, s21;
	[sflag:s23] =	ssyncset.done $0x0  }
0x18: {  	[sflag:s23] =	ssyncadd.s32 s4;
	_ =	sdelay $0x1  }
0x19: {  	s24 =	simm.s32 $0x1B8B  }
0x1a: {  	_ =	swait.ge [sflag:s24], $0x1  }
0x1b: {  	[sflag:s24] =	ssyncset.done $0x0  }
0x1c: {  	s26 =	simm.s32 $0x1B8E;
	s25 =	sld [smem:$0x3FFE];
	[sflag:s24] =	ssyncadd.s32 $0xFFFFFFFF  }
0x1d: {  	s27 =	simm.s32 $execute0_lowered;
	[smem:$0x3FD2] =	sst s26  }
0x1e: {  	s5 =	sshll.u32 s27, $0x1;
	_ =	strace $0x80000046;
	[dreg:$0x1] =	wrdreg $0xFFFFFFFF  }
0x1f: {  	s28 =	simm.s32 $_size_execute0_lowered;
	s3 =	sadd.s32 s3, s5;
	[dreg:$0x0] =	wrdreg $0x0  }
0x20: {  	s5 =	sshll.u32 s28, $0x1;
	[dreg:$0x2] =	wrdreg s3  }
0x21: {  	[dreg:$0x3] =	wrdreg s5  }
0x22: {  	[dreg:$0x4] =	wrdreg $0xC0  }
0x23: {  	_ =	task [dreg:s7], $0x5FFFF  }
0x24: {  	[dreg:$0x1] =	wrdreg $0xFFFFFFFF  }
0x25: {  	[dreg:$0x0] =	wrdreg $0x60  }
0x26: {  	[dreg:$0x2] =	wrdreg s2  }
0x27: {  	[dreg:$0x3] =	wrdreg s25  }
0x28: {  	[dreg:$0x4] =	wrdreg $0xA  }
0x29: {  	_ =	task.clear_ibuf [dreg:s7], $0x5FFFF;
	_ =	strace $0x90000046  }
0x2a: {  	s29 =	simm.s32 $0xA;
	_ =	strace $0x80000048  }
0x2b: {  	_ =	swait.ge [sflag:s29], $0x1  }
0x2c: {  	[sflag:s29] =	ssyncadd.s32 $0xFFFFFFFF  }
0x2d: {  	_ =	strace $0x90000048  }
0x2e: {  	_ =	sfence  }
0x2f: {  	s30 =	sld [smem:$0x0];
	_ =	sdelay $0x2  }
0x30: {  	s31 =	sshll.u32 s1, $0xD;
	s1 =	sshrl.u32 s1, $0x2  }
0x31: {  	s3 =	sand.u32 $0x4000, s31;
	s1 =	sadd.s32 s1, s30  }
0x32: {  	s0 =	sor.u32 s3, s0;
	s1 =	sshll.u32 s1, $0x11  }
0x33: {  	s0 =	sor.u32 s1, s0  }
0x34: {  	s0 =	sadd.s32 $0x8F2B, s0  }
0x35: {  	[sflag:s0] =	ssyncadd.remote.s32 $0x1  }
0x36: {  	_ =	sfence.sel $0xFFFF  }
0x37: {  	[dreg:$0x0] =	wrdreg $0xFFFFFFFF;
	(pc) =	sbr.abs _section_cstart, $3  }
0x38: {  	[dreg:$0x1] =	wrdreg $0xFFFFFFFF  }
0x39: {  	_ =	task.clear_ibuf [dreg:s7], $0x2FFFF;
	_ =	strace $0x9FFFFFFF  }
0x3a: {  	(tm) =	ssettm $0x7FFFFFFF  }
0x3b: {  	_ =	shalt  }
tec
execute0_lowered:
.L_overlay_start_1:
0x0: {  	(tag) =	ssettag $0x1  }
0x1: {  	s2 =	rddreg [dreg:$0x0]  }
0x2: {  	s1 =	rddreg [dreg:$0x1]  }
0x3: {  	s3 =	srdreg.scid;
	s0 =	rddreg [dreg:$0x2]  }
0x4: {  	_ =	strace $0x80000047;
	s5 =	simm.s32 $0x1;
	s8 =	simm.s32 $0x2  }
0x5: {  	s14 =	simm.s32 $0x0;
	p0 =	por $0x0, $0x0;
	s15 =	simm.s32 $0x0  }
0x6: {  	s17 =	simm.s32 $0x0;
	s16 =	simm.s32 $0x0;
	s10 =	simm.s32 $0x0  }
0x7: {  	s11 =	simm.s32 $0x0;
	s13 =	stileid.u32;
	s3 =	sand.u32 $0x1, s3  }
.Ltmp0:
0x8: {  	s4 =	sadd.s32 $0x1800, s1;
	s6 =	ssub.s32 $0x8, s3;
	(pc) =	sbr.rel .LBB1_1-.Ltmp0, $4  }
0x9: {  	s1 =	stileid.u32;
	[sflag:s5] =	ssyncpa.u1 $0x0;
	s7 =	sshrl.u32 s6, $0x1  }
0xa: {  	[sflag:s8] =	ssyncpa.u1 $0x0;
	s8 =	simm.s32 $0x800;
	s9 =	sadd.s32 s3, s7  }
0xb: {  	s12 =	smov.u32 s3;
	s6 =	ssub.s32 s6, s7;
	s31 =	sshll.u32 s9, $0x3  }
0xc: {  	s6 =	sshll.u32 s6, $0x3;
	s9 =	simm.s32 $0x0;
	s7 =	ssub.s32 $0x42, s31  }
.LBB1_4:
0xd: {  	_ =	sdelay $0x3  }
0xe: {  	[tilespmem:v0+s20+$0xFFFFFFA0 ss:$0x1] =	vst.idx.msk $0xffff, v6  }
0xf: {  	v56 =	vld.idx.msk [tilespmem:v1+s19+$0x30 ss:$0x1], $0xffff;
	[tilespmem:v0+s20+$0xFFFFFFB0 ss:$0x1] =	vst.idx.msk $0xffff, v4  }
0x10: {  	v57 =	vld.idx.msk [tilespmem:v1+s19+$0xFFFFFFC0 ss:$0x1], $0xffff;
	[tilespmem:v0+s20+$0xFFFFFFC0 ss:$0x1] =	vst.idx.msk $0xffff, v2  }
0x11: {  	v58 =	vld.idx.msk [tilespmem:v1+s19+$0xFFFFFFD0 ss:$0x1], $0xffff;
	[tilespmem:v0+s20+$0xFFFFFFD0 ss:$0x1] =	vst.idx.msk $0xffff, v3  }
0x12: {  	v59 =	vld.idx.msk [tilespmem:v1+s19+$0xFFFFFFE0 ss:$0x1], $0xffff;
	[tilespmem:v0+s20+$0xFFFFFFE0 ss:$0x1] =	vst.idx.msk $0xffff, v5  }
0x13: {  	v60 =	vld.idx.msk [tilespmem:v1+s19+$0xFFFFFFF0 ss:$0x1], $0xffff;
	[tilespmem:v0+s20+$0xFFFFFFF0 ss:$0x1] =	vst.idx.msk $0xffff, v7  }
0x14: {  	v61 =	vld.idx.msk [tilespmem:v1+s19+$0x0 ss:$0x1], $0xffff;
	[tilespmem:v0+s19+$0x0 ss:$0x1] =	vst.idx.msk $0xffff, v56  }
0x15: {  	v62 =	vld.idx.msk [tilespmem:v1+s19+$0x10 ss:$0x1], $0xffff;
	[tilespmem:v0+s19+$0xFFFFFF90 ss:$0x1] =	vst.idx.msk $0xffff, v57  }
0x16: {  	s17 =	sshll.u32 s17, $0x7;
	v63 =	vld.idx.msk [tilespmem:v1+s19+$0x20 ss:$0x1], $0xffff;
	s29 =	sand.u32 $0x78, s14;
	[tilespmem:v0+s19+$0xFFFFFFA0 ss:$0x1] =	vst.idx.msk $0xffff, v58  }
0x17: {  	s30 =	sshll.u32 s14, $0x3;
	s16 =	sshll.u32 s16, $0x11;
	s17 =	sand.u32 $0x380, s17;
	[tilespmem:v0+s19+$0xFFFFFFB0 ss:$0x1] =	vst.idx.msk $0xffff, v59  }
0x18: {  	s15 =	sshll.u32 s15, $0x8;
	s20 =	sand.u32 $0x400, s30;
	s17 =	sor.u32 s29, s17;
	[tilespmem:v0+s19+$0xFFFFFFC0 ss:$0x1] =	vst.idx.msk $0xffff, v60  }
0x19: {  	s31 =	sand.u32 $0x7, s14;
	s16 =	sadd.s32 s4, s16;
	s17 =	sor.u32 s20, s17;
	[tilespmem:v0+s19+$0xFFFFFFD0 ss:$0x1] =	vst.idx.msk $0xffff, v61  }
0x1a: {  	s14 =	sshll.u32 s31, $0x12;
	s15 =	sadd.s32 s15, s16;
	s17 =	sshrl.u32 s17, $0x3;
	[tilespmem:v0+s19+$0xFFFFFFE0 ss:$0x1] =	vst.idx.msk $0xffff, v62  }
0x1b: {  	s14 =	sor.u32 $0x80, s14;
	[tilespmem:v0+s19+$0xFFFFFFF0 ss:$0x1] =	vst.idx.msk $0xffff, v63;
	s15 =	sadd.s32 s17, s15  }
0x1c: {  	[hbm4b:s15+s14] =	stream.strided.scatter [tilespmem:s18], [sflag:$0x2], $0x4000, s8, s14, $0x38;
	[tilespmem:$0x10000] =	vst v63  }
.LBB1_5:
0x1d: {  	s18 =	sadd.s32 $0x80, s10  }
0x1e: {  	s14 =	sadd.s32 $0x80, s11;
	s19 =	smov.u32 s11;
	p2 =	sgt.s32 s18, $0xFF  }
0x1f: {  	s19 =	smov.u32 @p2 s14  }
0x20: {  	s20 =	smov.u32 s12;
	s14 =	sadd.s32 $0x2, s12;
	p3 =	sgt.s32 s19, $0x1FF  }
0x21: {  	s20 =	smov.u32 @p3 s14  }
0x22: {  	s21 =	smov.u32 s13;
	s14 =	sadd.s32 $0x10, s13;
	p4 =	sgt.s32 s20, $0x7  }
0x23: {  	p1 =	slt.u32 s9, $0x2;
	s21 =	smov.u32 @p4 s14  }
0x24: {  	s9 =	sadd.s32 $0x1, s9;
	s18 =	simm.s32 @p2 $0x0;
	p2 =	sgt.s32 s21, $0xF  }
0x25: {  	s22 =	simm.s32 @!p1 $0x2;
	s21 =	smov.u32 @p2 s1;
	p2 =	sne.s32 s9, s7  }
.Ltmp1:
0x26: {  	s15 =	smov.u32 s11;
	_ =	swait.ge @!p1 [sflag:s22], $0x4000;
	(pc) =	sbr.rel @!p2 .LBB1_6-.Ltmp1, $4  }
0x27: {  	s17 =	smov.u32 s12;
	s16 =	smov.u32 s13;
	[sflag:s22] =	ssyncset.done @!p1 $0x0  }
0x28: {  	p0 =	por !p0, !p0;
	s19 =	simm.s32 @p3 $0x0;
	[sflag:s22] =	ssyncadd.s32 @!p1 $0xFFFFC000  }
0x29: {  	s11 =	smov.u32 s19;
	s20 =	smov.u32 @p4 s3;
	s14 =	smov.u32 s10  }
0x2a: {  	s10 =	smov.u32 s18;
	s12 =	smov.u32 s20;
	s13 =	smov.u32 s21  }
.LBB1_1:
0x2b: {  	p1 =	sge.u32 s9, s6;
	s31 =	sadd.s32 $0xFFFFFFFF, s9  }
0x2c: {  	s18 =	sxor.u32 @!p1 $0xFFFFFFFF, s9;
	s19 =	sand.u32 @!p1 $0x78, s10;
	s20 =	sshll.u32 @!p1 s11, $0x8  }
0x2d: {  	s21 =	sshll.u32 @!p1 s10, $0x3;
	s22 =	sshll.u32 @!p1 s11, $0x7;
	s18 =	sshll.u32 @!p1 s18, $0xE  }
0x2e: {  	s20 =	sand.u32 @!p1 $0x1F800, s20;
	s21 =	sand.u32 @!p1 $0x1FC00, s21;
	s18 =	sand.u32 @!p1 $0x4000, s18  }
0x2f: {  	s20 =	sadd.s32 @!p1 s20, s21;
	s21 =	sand.u32 @!p1 $0x300, s22;
	s22 =	sand.u32 @!p1 $0x80, s22  }
0x30: {  	s20 =	sor.u32 @!p1 s21, s20;
	s19 =	sor.u32 @!p1 s19, s22;
	s21 =	sshll.u32 @!p1 s13, $0x11  }
0x31: {  	s22 =	sshll.u32 @!p1 s12, $0xE;
	s20 =	sshrl.u32 @!p1 s20, $0x3;
	s21 =	sadd.s32 @!p1 s2, s21  }
0x32: {  	s19 =	sshrl.u32 @!p1 s19, $0x3;
	s21 =	sadd.s32 @!p1 s22, s21;
	s22 =	sand.u32 @!p1 $0x7, s10  }
0x33: {  	s20 =	sand.u32 @!p1 $0x3FE0, s20;
	s19 =	sadd.s32 @!p1 s19, s21;
	s21 =	sshll.u32 @!p1 s22, $0x12  }
0x34: {  	s19 =	sadd.s32 @!p1 s20, s19;
	s20 =	sor.u32 @!p1 $0x400, s21;
	s21 =	simm.s32 @!p1 $0x800  }
0x35: {  	[tilespmem:s18], [sflag:$0x1] =	stream.strided.gather @!p1 [hbm4b:s19+s20], $0x4000, s21, s20, $0x38;
	[tilespmem:$0x10000] =	vst v63  }
0x36: {  	p1 =	sge.u32 s31, s6  }
.Ltmp2:
0x37: {  	_ = 	snop;
	(pc) =	sbr.rel @p1 .LBB1_5-.Ltmp2, $1  }
0x38: {  	_ =	sdelay $0x3  }
0x39: {  	s18 =	simm.s32 $0x1  }
0x3a: {  	s18 =	simm.s32 @!p0 $0x0  }
0x3b: {  	s18 =	sshll.u32 s18, $0xE  }
0x3c: {  	s19 =	sor.u32 $0x40, s18  }
0x3d: {  	v1 =	vmov s19;
	_ =	sdelay $0x1  }
0x3e: {  	_ =	swait.ge [sflag:s5], $0x4000  }
0x3f: {  	[sflag:s5] =	ssyncset.done $0x0  }
0x40: {  	s20 =	simm.s32 $0x0;
	[sflag:s5] =	ssyncadd.s32 $0xFFFFC000  }
0x41: {  	s18 =	sor.u32 $0x8070, s18;
	v7 =	vld.idx.msk [tilespmem:v1+s20+$0x30 ss:$0x1], $0xffff  }
0x42: {  	v0 =	vmov s18;
	v8 =	vld.idx.msk [tilespmem:v1+s20+$0xFFFFFFC0 ss:$0x1], $0xffff  }
0x43: {  	v6 =	vld.idx.msk [tilespmem:v1+s20+$0xFFFFFFD0 ss:$0x1], $0xffff  }
0x44: {  	v4 =	vld.idx.msk [tilespmem:v1+s20+$0xFFFFFFE0 ss:$0x1], $0xffff  }
0x45: {  	v2 =	vld.idx.msk [tilespmem:v1+s20+$0xFFFFFFF0 ss:$0x1], $0xffff  }
0x46: {  	s31 =	sshll.u32 s9, $0xE;
	v3 =	vld.idx.msk [tilespmem:v1+s20+$0x0 ss:$0x1], $0xffff  }
0x47: {  	s18 =	sand.u32 $0x4000, s31;
	v5 =	vld.idx.msk [tilespmem:v1+s20+$0x10 ss:$0x1], $0xffff;
	[tilespmem:v0+s20+$0x0 ss:$0x1] =	vst.idx.msk $0xffff, v7  }
0x48: {  	s21 =	simm.s32 $0x400;
	s19 =	simm.s32 $0x80;
	s18 =	sor.u32 $0x8000, s18;
	[tilespmem:v0+s20+$0xFFFFFF90 ss:$0x1] =	vst.idx.msk $0xffff, v8;
	v7 =	vld.idx.msk [tilespmem:v1+s20+$0x20 ss:$0x1], $0xffff  }
.LBB1_3:
0x49: {  	p1 =	sne.s32 s21, $0xFE00;
	v8 =	vld.idx.msk [tilespmem:v1+s19+$0x30 ss:$0x1], $0xffff;
	[tilespmem:v0+s20+$0xFFFFFFA0 ss:$0x1] =	vst.idx.msk $0xffff, v6  }
0x4a: {  	v9 =	vld.idx.msk [tilespmem:v1+s19+$0xFFFFFFC0 ss:$0x1], $0xffff;
	[tilespmem:v0+s20+$0xFFFFFFB0 ss:$0x1] =	vst.idx.msk $0xffff, v4  }
0x4b: {  	v6 =	vld.idx.msk [tilespmem:v1+s19+$0xFFFFFFD0 ss:$0x1], $0xffff;
	[tilespmem:v0+s20+$0xFFFFFFC0 ss:$0x1] =	vst.idx.msk $0xffff, v2  }
.Ltmp3:
0x4c: {  	v4 =	vld.idx.msk [tilespmem:v1+s19+$0xFFFFFFE0 ss:$0x1], $0xffff;
	[tilespmem:v0+s20+$0xFFFFFFD0 ss:$0x1] =	vst.idx.msk $0xffff, v3;
	(pc) =	sbr.rel @p1 .LBB1_3-.Ltmp3, $4  }
0x4d: {  	v2 =	vld.idx.msk [tilespmem:v1+s19+$0xFFFFFFF0 ss:$0x1], $0xffff;
	[tilespmem:v0+s20+$0xFFFFFFE0 ss:$0x1] =	vst.idx.msk $0xffff, v5  }
0x4e: {  	v3 =	vld.idx.msk [tilespmem:v1+s19+$0x0 ss:$0x1], $0xffff;
	[tilespmem:v0+s20+$0xFFFFFFF0 ss:$0x1] =	vst.idx.msk $0xffff, v7;
	s20 =	smov.u32 s19  }
0x4f: {  	v5 =	vld.idx.msk [tilespmem:v1+s20+$0x10 ss:$0x1], $0xffff;
	[tilespmem:v0+s20+$0x0 ss:$0x1] =	vst.idx.msk $0xffff, v8  }
0x50: {  	s19 =	sshra.s32 s21, $0x2;
	s21 =	sadd.s32 $0x200, s21;
	[tilespmem:v0+s20+$0xFFFFFF90 ss:$0x1] =	vst.idx.msk $0xffff, v9;
	v7 =	vld.idx.msk [tilespmem:v1+s20+$0x20 ss:$0x1], $0xffff  }
.Ltmp4:
0x51: {  	_ = 	snop;
	(pc) =	sbr.rel .LBB1_4-.Ltmp4, $1  }
0x52: {  	_ =	sdelay $0x3  }
.LBB1_6:
0x53: {  	_ =	sfence.sel $0x180000  }
0x54: {  	s2 =	simm.s32 $0x1;
	[bflag:$0x0] =	sbarrier.arrive $0xFFFF  }
0x55: {  	s31 =	simm.s32 $0x2;
	[sflag:s2] =	ssyncpa.u1 $0x1  }
0x56: {  	[sflag:s31] =	ssyncpa.u1 $0x1  }
0x57: {  	p0 =	sne.s32 s1, $0x0;
	_ =	strace $0x90000047  }
0x58: {  	s0 =	sadd.s32 @!p0 $0x100000, s0;
	[bflag:$0x2] =	sbarrier.arrive $0xFFFF  }
0x59: {  	[sflag:s0] =	ssyncadd.tile.s32 @!p0 $0x1;
	_ =	shalt  }
.Lfunc_end1:
_tile_overlayer_lowered:
.L_overlay_start_2:
0x5a: {  	(tag) =	ssettag $0x2  }
0x5b: {  	s0 =	rddreg [dreg:$0x0];
	s2 =	stileid.u32  }
0x5c: {  	s1 =	rddreg [dreg:$0x1];
	p0 =	sne.s32 s2, $0x0  }
0x5d: {  	s3 =	rddreg [dreg:$0x2];
	[bflag:$0x3] =	sbarrier.arrive $0xFFFF;
	s2 =	simm.s32 @!p0 $0x1C01  }
0x5e: {  	[timem:s3], [sflag:s2] =	dma.local @!p0 [hbm:s0], s1  }
0x5f: {  	s0 =	simm.s32 @!p0 $0x1  }
0x60: {  	_ =	swait.ge @!p0 [sflag:s0], s1  }
0x61: {  	s1 =	ssub.s32 @!p0 $0x0, s1;
	[sflag:s0] =	ssyncset.done @!p0 $0x0  }
0x62: {  	[sflag:s0] =	ssyncadd.s32 @!p0 s1  }
0x63: {  	[bflag:$0x3] =	sbarrier.arrive $0xFFFF  }
0x64: {  	_ =	shalt  }

// kernel: sparse-core-data-format-call.cloned.1.call-start
scs
called_computation_lowered:
.L_overlay_start_0:
0x0: {  	s2 =	sld [smem:$0x3FD9]  }
0x1: {  	s3 =	sld [smem:$0x3FFE];
	_ =	sdelay $0x1  }
0x2: {  	s1 =	srdreg.scid  }
0x3: {  	s0 =	sand.u32 $0x1, s1  }
0x4: {  	s18 =	sshll.u32 s0, $0xA;
	s2 =	sadd.s32 s3, s2  }
0x5: {  	s2 =	sadd.s32 s2, s18  }
0x6: {  	[smem:$0x3FC1] =	sst s2  }
0x7: {  	_ = 	snop  }
0x8: {  	s19 =	sld [smem:$0x3FC3];
	(tm) =	ssettm $0x1  }
0x9: {  	s20 =	sld [smem:$0x3FFB];
	_ =	sdelay $0x3  }
0xa: {  	_ =	strace s20  }
0xb: {  	s2 =	sld [smem:$0x3FFC];
	_ =	sdelay $0x3  }
0xc: {  	_ =	strace s2  }
0xd: {  	s2 =	sld [smem:$0x3FFD];
	_ =	sdelay $0x3  }
0xe: {  	_ =	strace s2  }
0xf: {  	_ =	strace $0x8FFFFFFF  }
0x10: {  	s21 =	sld [smem:$0x3FDB];
	_ =	sdelay $0x1  }
0x11: {  	s4 =	simm.s32 $_scs_section_size  }
0x12: {  	s5 =	simm.s32 $_size__tile_overlayer_lowered;
	s6 =	simm.s32 $_tile_overlayer_lowered  }
0x13: {  	s7 =	simm.s32 $0x1BFF;
	s22 =	sshll.u32 s6, $0x1;
	s4 =	sadd.s32 s4, s21  }
0x14: {  	s23 =	simm.s32 $0x0;
	s5 =	sshll.u32 s5, $0x1;
	s6 =	sadd.s32 s22, s4  }
0x15: {  	[timem:s23], [sflag:s7] =	dma.local [hbm:s6], s5  }
0x16: {  	_ =	swait.ge [sflag:s7], s5  }
0x17: {  	s5 =	ssub.s32 $0x0, s5;
	[sflag:s7] =	ssyncset.done $0x0  }
0x18: {  	[sflag:s7] =	ssyncadd.s32 s5;
	_ =	sdelay $0x1  }
0x19: {  	s24 =	simm.s32 $0x1B8B  }
0x1a: {  	_ =	swait.ge [sflag:s24], $0x1  }
0x1b: {  	[sflag:s24] =	ssyncset.done $0x0  }
0x1c: {  	[sflag:s24] =	ssyncadd.s32 $0xFFFFFFFF  }
0x1d: {  	s5 =	sld [smem:$0x0]  }
0x1e: {  	s6 =	sand.u32 $0xFFFFFFFE, s1  }
0x1f: {  	p0 =	sne.s32 s1, s6  }
0x20: {  	s6 =	sshll.u32 @p0 s6, $0xE  }
0x21: {  	s6 =	sadd.s32 @p0 $0x11B8D, s6;
	s7 =	sshll.u32 @p0 s5, $0x11  }
0x22: {  	s6 =	sor.u32 @p0 s7, s6  }
0x23: {  	[sflag:s6] =	ssyncadd.remote.s32 @p0 $0x1;
	_ =	sdelay $0x1  }
0x24: {  	s6 =	simm.s32 @p0 $0x1B8D  }
0x25: {  	_ =	swait.eq @p0 [sflag:s6], $0x1  }
0x26: {  	[sflag:s6] =	ssyncadd.s32 @p0 $0xFFFFFFFF  }
0x27: {  	s7 =	sshll.u32 @!p0 s1, $0xE  }
0x28: {  	s7 =	sor.u32 @!p0 $0x4000, s7;
	s6 =	simm.s32 @!p0 $0x1B8D  }
0x29: {  	s5 =	sshll.u32 @!p0 s5, $0x11;
	s7 =	sadd.s32 @!p0 $0x11B8D, s7;
	_ =	swait.eq @!p0 [sflag:s6], $0x1  }
0x2a: {  	s5 =	sor.u32 @!p0 s5, s7;
	[sflag:s6] =	ssyncadd.s32 @!p0 $0xFFFFFFFF  }
0x2b: {  	s26 =	simm.s32 $0x1B8E;
	s25 =	sld [smem:$0x3FFE];
	[sflag:s5] =	ssyncadd.remote.s32 @!p0 $0x1  }
0x2c: {  	s27 =	simm.s32 $execute0_lowered;
	[smem:$0x3FD2] =	sst s26  }
0x2d: {  	s6 =	sshll.u32 s27, $0x1;
	_ =	strace $0x80000049;
	[dreg:$0x1] =	wrdreg $0xFFFFFFFF  }
0x2e: {  	s28 =	simm.s32 $_size_execute0_lowered;
	s4 =	sadd.s32 s4, s6;
	[dreg:$0x0] =	wrdreg $0x0  }
0x2f: {  	s6 =	sshll.u32 s28, $0x1;
	[dreg:$0x2] =	wrdreg s4  }
0x30: {  	[dreg:$0x3] =	wrdreg s6  }
0x31: {  	[dreg:$0x4] =	wrdreg $0xC0  }
0x32: {  	_ =	task [dreg:s23], $0x5FFFF  }
0x33: {  	[dreg:$0x1] =	wrdreg $0xFFFFFFFF  }
0x34: {  	[dreg:$0x0] =	wrdreg $0x60  }
0x35: {  	[dreg:$0x2] =	wrdreg s19  }
0x36: {  	[dreg:$0x3] =	wrdreg s25  }
0x37: {  	[dreg:$0x4] =	wrdreg $0x9  }
0x38: {  	_ =	task.clear_ibuf [dreg:s23], $0x5FFFF;
	_ =	strace $0x90000049  }
0x39: {  	s29 =	simm.s32 $0x9;
	_ =	strace $0x8000004B  }
0x3a: {  	_ =	swait.ge [sflag:s29], $0x1  }
0x3b: {  	[sflag:s29] =	ssyncadd.s32 $0xFFFFFFFF  }
0x3c: {  	_ =	strace $0x9000004B  }
0x3d: {  	_ =	sfence  }
0x3e: {  	s30 =	sld [smem:$0x0];
	_ =	sdelay $0x2  }
0x3f: {  	s31 =	sshll.u32 s1, $0xD;
	s1 =	sshrl.u32 s1, $0x2  }
0x40: {  	s4 =	sand.u32 $0x4000, s31;
	s1 =	sadd.s32 s1, s30  }
0x41: {  	s0 =	sor.u32 s4, s0;
	s1 =	sshll.u32 s1, $0x11  }
0x42: {  	s0 =	sor.u32 s1, s0  }
0x43: {  	s0 =	sadd.s32 $0x8F2B, s0  }
0x44: {  	[sflag:s0] =	ssyncadd.remote.s32 $0x1  }
0x45: {  	_ =	sfence.sel $0xFFFF  }
0x46: {  	[dreg:$0x0] =	wrdreg $0xFFFFFFFF;
	(pc) =	sbr.abs _section_cstart, $3  }
0x47: {  	[dreg:$0x1] =	wrdreg $0xFFFFFFFF  }
0x48: {  	_ =	task.clear_ibuf [dreg:s23], $0x2FFFF;
	_ =	strace $0x9FFFFFFF  }
0x49: {  	(tm) =	ssettm $0x7FFFFFFF  }
tec
execute0_lowered:
.L_overlay_start_1:
0x0: {  	(tag) =	ssettag $0x1  }
0x1: {  	s2 =	rddreg [dreg:$0x0]  }
0x2: {  	s1 =	rddreg [dreg:$0x1]  }
0x3: {  	s3 =	srdreg.scid;
	s0 =	rddreg [dreg:$0x2]  }
0x4: {  	_ =	strace $0x8000004A;
	s5 =	simm.s32 $0x1;
	s8 =	simm.s32 $0x2  }
0x5: {  	s14 =	simm.s32 $0x0;
	p0 =	por $0x0, $0x0;
	s15 =	simm.s32 $0x0  }
0x6: {  	s17 =	simm.s32 $0x0;
	s16 =	simm.s32 $0x0;
	s10 =	simm.s32 $0x0  }
0x7: {  	s11 =	simm.s32 $0x0;
	s13 =	stileid.u32;
	s3 =	sand.u32 $0x1, s3  }
.Ltmp0:
0x8: {  	s4 =	sadd.s32 $0x201800, s1;
	s6 =	ssub.s32 $0x8, s3;
	(pc) =	sbr.rel .LBB1_1-.Ltmp0, $4  }
0x9: {  	s1 =	stileid.u32;
	[sflag:s5] =	ssyncpa.u1 $0x0;
	s7 =	sshrl.u32 s6, $0x1  }
0xa: {  	[sflag:s8] =	ssyncpa.u1 $0x0;
	s8 =	simm.s32 $0x800;
	s9 =	sadd.s32 s3, s7  }
0xb: {  	s12 =	smov.u32 s3;
	s6 =	ssub.s32 s6, s7;
	s31 =	sshll.u32 s9, $0x3  }
0xc: {  	s6 =	sshll.u32 s6, $0x3;
	s9 =	simm.s32 $0x0;
	s7 =	ssub.s32 $0x42, s31  }
.LBB1_4:
0xd: {  	_ =	sdelay $0x3  }
0xe: {  	[tilespmem:v0+s20+$0xFFFFFFA0 ss:$0x1] =	vst.idx.msk $0xffff, v6  }
0xf: {  	v56 =	vld.idx.msk [tilespmem:v1+s19+$0x30 ss:$0x1], $0xffff;
	[tilespmem:v0+s20+$0xFFFFFFB0 ss:$0x1] =	vst.idx.msk $0xffff, v4  }
0x10: {  	v57 =	vld.idx.msk [tilespmem:v1+s19+$0xFFFFFFC0 ss:$0x1], $0xffff;
	[tilespmem:v0+s20+$0xFFFFFFC0 ss:$0x1] =	vst.idx.msk $0xffff, v2  }
0x11: {  	v58 =	vld.idx.msk [tilespmem:v1+s19+$0xFFFFFFD0 ss:$0x1], $0xffff;
	[tilespmem:v0+s20+$0xFFFFFFD0 ss:$0x1] =	vst.idx.msk $0xffff, v3  }
0x12: {  	v59 =	vld.idx.msk [tilespmem:v1+s19+$0xFFFFFFE0 ss:$0x1], $0xffff;
	[tilespmem:v0+s20+$0xFFFFFFE0 ss:$0x1] =	vst.idx.msk $0xffff, v5  }
0x13: {  	v60 =	vld.idx.msk [tilespmem:v1+s19+$0xFFFFFFF0 ss:$0x1], $0xffff;
	[tilespmem:v0+s20+$0xFFFFFFF0 ss:$0x1] =	vst.idx.msk $0xffff, v7  }
0x14: {  	v61 =	vld.idx.msk [tilespmem:v1+s19+$0x0 ss:$0x1], $0xffff;
	[tilespmem:v0+s19+$0x0 ss:$0x1] =	vst.idx.msk $0xffff, v56  }
0x15: {  	v62 =	vld.idx.msk [tilespmem:v1+s19+$0x10 ss:$0x1], $0xffff;
	[tilespmem:v0+s19+$0xFFFFFF90 ss:$0x1] =	vst.idx.msk $0xffff, v57  }
0x16: {  	s17 =	sshll.u32 s17, $0x7;
	v63 =	vld.idx.msk [tilespmem:v1+s19+$0x20 ss:$0x1], $0xffff;
	s29 =	sand.u32 $0x78, s14;
	[tilespmem:v0+s19+$0xFFFFFFA0 ss:$0x1] =	vst.idx.msk $0xffff, v58  }
0x17: {  	s30 =	sshll.u32 s14, $0x3;
	s16 =	sshll.u32 s16, $0x11;
	s17 =	sand.u32 $0x380, s17;
	[tilespmem:v0+s19+$0xFFFFFFB0 ss:$0x1] =	vst.idx.msk $0xffff, v59  }
0x18: {  	s15 =	sshll.u32 s15, $0x8;
	s20 =	sand.u32 $0x400, s30;
	s17 =	sor.u32 s29, s17;
	[tilespmem:v0+s19+$0xFFFFFFC0 ss:$0x1] =	vst.idx.msk $0xffff, v60  }
0x19: {  	s31 =	sand.u32 $0x7, s14;
	s16 =	sadd.s32 s4, s16;
	s17 =	sor.u32 s20, s17;
	[tilespmem:v0+s19+$0xFFFFFFD0 ss:$0x1] =	vst.idx.msk $0xffff, v61  }
0x1a: {  	s14 =	sshll.u32 s31, $0x12;
	s15 =	sadd.s32 s15, s16;
	s17 =	sshrl.u32 s17, $0x3;
	[tilespmem:v0+s19+$0xFFFFFFE0 ss:$0x1] =	vst.idx.msk $0xffff, v62  }
0x1b: {  	s14 =	sor.u32 $0x80, s14;
	[tilespmem:v0+s19+$0xFFFFFFF0 ss:$0x1] =	vst.idx.msk $0xffff, v63;
	s15 =	sadd.s32 s17, s15  }
0x1c: {  	[hbm4b:s15+s14] =	stream.strided.scatter [tilespmem:s18], [sflag:$0x2], $0x4000, s8, s14, $0x38;
	[tilespmem:$0x10000] =	vst v63  }
.LBB1_5:
0x1d: {  	s18 =	sadd.s32 $0x80, s10  }
0x1e: {  	s14 =	sadd.s32 $0x80, s11;
	s19 =	smov.u32 s11;
	p2 =	sgt.s32 s18, $0xFF  }
0x1f: {  	s19 =	smov.u32 @p2 s14  }
0x20: {  	s20 =	smov.u32 s12;
	s14 =	sadd.s32 $0x2, s12;
	p3 =	sgt.s32 s19, $0x1FF  }
0x21: {  	s20 =	smov.u32 @p3 s14  }
0x22: {  	s21 =	smov.u32 s13;
	s14 =	sadd.s32 $0x10, s13;
	p4 =	sgt.s32 s20, $0x7  }
0x23: {  	p1 =	slt.u32 s9, $0x2;
	s21 =	smov.u32 @p4 s14  }
0x24: {  	s9 =	sadd.s32 $0x1, s9;
	s18 =	simm.s32 @p2 $0x0;
	p2 =	sgt.s32 s21, $0xF  }
0x25: {  	s22 =	simm.s32 @!p1 $0x2;
	s21 =	smov.u32 @p2 s1;
	p2 =	sne.s32 s9, s7  }
.Ltmp1:
0x26: {  	s15 =	smov.u32 s11;
	_ =	swait.ge @!p1 [sflag:s22], $0x4000;
	(pc) =	sbr.rel @!p2 .LBB1_6-.Ltmp1, $4  }
0x27: {  	s17 =	smov.u32 s12;
	s16 =	smov.u32 s13;
	[sflag:s22] =	ssyncset.done @!p1 $0x0  }
0x28: {  	p0 =	por !p0, !p0;
	s19 =	simm.s32 @p3 $0x0;
	[sflag:s22] =	ssyncadd.s32 @!p1 $0xFFFFC000  }
0x29: {  	s11 =	smov.u32 s19;
	s20 =	smov.u32 @p4 s3;
	s14 =	smov.u32 s10  }
0x2a: {  	s10 =	smov.u32 s18;
	s12 =	smov.u32 s20;
	s13 =	smov.u32 s21  }
.LBB1_1:
0x2b: {  	p1 =	sge.u32 s9, s6;
	s31 =	sadd.s32 $0xFFFFFFFF, s9  }
0x2c: {  	s18 =	sxor.u32 @!p1 $0xFFFFFFFF, s9;
	s19 =	sand.u32 @!p1 $0x78, s10;
	s20 =	sshll.u32 @!p1 s11, $0x8  }
0x2d: {  	s21 =	sshll.u32 @!p1 s10, $0x3;
	s22 =	sshll.u32 @!p1 s11, $0x7;
	s18 =	sshll.u32 @!p1 s18, $0xE  }
0x2e: {  	s20 =	sand.u32 @!p1 $0x1F800, s20;
	s21 =	sand.u32 @!p1 $0x1FC00, s21;
	s18 =	sand.u32 @!p1 $0x4000, s18  }
0x2f: {  	s20 =	sadd.s32 @!p1 s20, s21;
	s21 =	sand.u32 @!p1 $0x300, s22;
	s22 =	sand.u32 @!p1 $0x80, s22  }
0x30: {  	s20 =	sor.u32 @!p1 s21, s20;
	s19 =	sor.u32 @!p1 s19, s22;
	s21 =	sshll.u32 @!p1 s13, $0x11  }
0x31: {  	s22 =	sshll.u32 @!p1 s12, $0xE;
	s20 =	sshrl.u32 @!p1 s20, $0x3;
	s21 =	sadd.s32 @!p1 s2, s21  }
0x32: {  	s19 =	sshrl.u32 @!p1 s19, $0x3;
	s21 =	sadd.s32 @!p1 s22, s21;
	s22 =	sand.u32 @!p1 $0x7, s10  }
0x33: {  	s20 =	sand.u32 @!p1 $0x3FE0, s20;
	s19 =	sadd.s32 @!p1 s19, s21;
	s21 =	sshll.u32 @!p1 s22, $0x12  }
0x34: {  	s19 =	sadd.s32 @!p1 s20, s19;
	s20 =	sor.u32 @!p1 $0x400, s21;
	s21 =	simm.s32 @!p1 $0x800  }
0x35: {  	[tilespmem:s18], [sflag:$0x1] =	stream.strided.gather @!p1 [hbm4b:s19+s20], $0x4000, s21, s20, $0x38;
	[tilespmem:$0x10000] =	vst v63  }
0x36: {  	p1 =	sge.u32 s31, s6  }
.Ltmp2:
0x37: {  	_ = 	snop;
	(pc) =	sbr.rel @p1 .LBB1_5-.Ltmp2, $1  }
0x38: {  	_ =	sdelay $0x3  }
0x39: {  	s18 =	simm.s32 $0x1  }
0x3a: {  	s18 =	simm.s32 @!p0 $0x0  }
0x3b: {  	s18 =	sshll.u32 s18, $0xE  }
0x3c: {  	s19 =	sor.u32 $0x40, s18  }
0x3d: {  	v1 =	vmov s19;
	_ =	sdelay $0x1  }
0x3e: {  	_ =	swait.ge [sflag:s5], $0x4000  }
0x3f: {  	[sflag:s5] =	ssyncset.done $0x0  }
0x40: {  	s20 =	simm.s32 $0x0;
	[sflag:s5] =	ssyncadd.s32 $0xFFFFC000  }
0x41: {  	s18 =	sor.u32 $0x8070, s18;
	v7 =	vld.idx.msk [tilespmem:v1+s20+$0x30 ss:$0x1], $0xffff  }
0x42: {  	v0 =	vmov s18;
	v8 =	vld.idx.msk [tilespmem:v1+s20+$0xFFFFFFC0 ss:$0x1], $0xffff  }
0x43: {  	v6 =	vld.idx.msk [tilespmem:v1+s20+$0xFFFFFFD0 ss:$0x1], $0xffff  }
0x44: {  	v4 =	vld.idx.msk [tilespmem:v1+s20+$0xFFFFFFE0 ss:$0x1], $0xffff  }
0x45: {  	v2 =	vld.idx.msk [tilespmem:v1+s20+$0xFFFFFFF0 ss:$0x1], $0xffff  }
0x46: {  	s31 =	sshll.u32 s9, $0xE;
	v3 =	vld.idx.msk [tilespmem:v1+s20+$0x0 ss:$0x1], $0xffff  }
0x47: {  	s18 =	sand.u32 $0x4000, s31;
	v5 =	vld.idx.msk [tilespmem:v1+s20+$0x10 ss:$0x1], $0xffff;
	[tilespmem:v0+s20+$0x0 ss:$0x1] =	vst.idx.msk $0xffff, v7  }
0x48: {  	s21 =	simm.s32 $0x400;
	s19 =	simm.s32 $0x80;
	s18 =	sor.u32 $0x8000, s18;
	[tilespmem:v0+s20+$0xFFFFFF90 ss:$0x1] =	vst.idx.msk $0xffff, v8;
	v7 =	vld.idx.msk [tilespmem:v1+s20+$0x20 ss:$0x1], $0xffff  }
.LBB1_3:
0x49: {  	p1 =	sne.s32 s21, $0xFE00;
	v8 =	vld.idx.msk [tilespmem:v1+s19+$0x30 ss:$0x1], $0xffff;
	[tilespmem:v0+s20+$0xFFFFFFA0 ss:$0x1] =	vst.idx.msk $0xffff, v6  }
0x4a: {  	v9 =	vld.idx.msk [tilespmem:v1+s19+$0xFFFFFFC0 ss:$0x1], $0xffff;
	[tilespmem:v0+s20+$0xFFFFFFB0 ss:$0x1] =	vst.idx.msk $0xffff, v4  }
0x4b: {  	v6 =	vld.idx.msk [tilespmem:v1+s19+$0xFFFFFFD0 ss:$0x1], $0xffff;
	[tilespmem:v0+s20+$0xFFFFFFC0 ss:$0x1] =	vst.idx.msk $0xffff, v2  }
.Ltmp3:
0x4c: {  	v4 =	vld.idx.msk [tilespmem:v1+s19+$0xFFFFFFE0 ss:$0x1], $0xffff;
	[tilespmem:v0+s20+$0xFFFFFFD0 ss:$0x1] =	vst.idx.msk $0xffff, v3;
	(pc) =	sbr.rel @p1 .LBB1_3-.Ltmp3, $4  }
0x4d: {  	v2 =	vld.idx.msk [tilespmem:v1+s19+$0xFFFFFFF0 ss:$0x1], $0xffff;
	[tilespmem:v0+s20+$0xFFFFFFE0 ss:$0x1] =	vst.idx.msk $0xffff, v5  }
0x4e: {  	v3 =	vld.idx.msk [tilespmem:v1+s19+$0x0 ss:$0x1], $0xffff;
	[tilespmem:v0+s20+$0xFFFFFFF0 ss:$0x1] =	vst.idx.msk $0xffff, v7;
	s20 =	smov.u32 s19  }
0x4f: {  	v5 =	vld.idx.msk [tilespmem:v1+s20+$0x10 ss:$0x1], $0xffff;
	[tilespmem:v0+s20+$0x0 ss:$0x1] =	vst.idx.msk $0xffff, v8  }
0x50: {  	s19 =	sshra.s32 s21, $0x2;
	s21 =	sadd.s32 $0x200, s21;
	[tilespmem:v0+s20+$0xFFFFFF90 ss:$0x1] =	vst.idx.msk $0xffff, v9;
	v7 =	vld.idx.msk [tilespmem:v1+s20+$0x20 ss:$0x1], $0xffff  }
.Ltmp4:
0x51: {  	_ = 	snop;
	(pc) =	sbr.rel .LBB1_4-.Ltmp4, $1  }
0x52: {  	_ =	sdelay $0x3  }
.LBB1_6:
0x53: {  	_ =	sfence.sel $0x180000  }
0x54: {  	s2 =	simm.s32 $0x1;
	[bflag:$0x0] =	sbarrier.arrive $0xFFFF  }
0x55: {  	s31 =	simm.s32 $0x2;
	[sflag:s2] =	ssyncpa.u1 $0x1  }
0x56: {  	[sflag:s31] =	ssyncpa.u1 $0x1  }
0x57: {  	p0 =	sne.s32 s1, $0x0;
	_ =	strace $0x9000004A  }
0x58: {  	s0 =	sadd.s32 @!p0 $0x100000, s0;
	[bflag:$0x2] =	sbarrier.arrive $0xFFFF  }
0x59: {  	[sflag:s0] =	ssyncadd.tile.s32 @!p0 $0x1;
	_ =	shalt  }
.Lfunc_end1:
_tile_overlayer_lowered:
.L_overlay_start_2:
0x5a: {  	(tag) =	ssettag $0x2  }
0x5b: {  	s0 =	rddreg [dreg:$0x0];
	s2 =	stileid.u32  }
0x5c: {  	s1 =	rddreg [dreg:$0x1];
	p0 =	sne.s32 s2, $0x0  }
0x5d: {  	s3 =	rddreg [dreg:$0x2];
	[bflag:$0x3] =	sbarrier.arrive $0xFFFF;
	s2 =	simm.s32 @!p0 $0x1C01  }
0x5e: {  	[timem:s3], [sflag:s2] =	dma.local @!p0 [hbm:s0], s1  }
0x5f: {  	s0 =	simm.s32 @!p0 $0x1  }
0x60: {  	_ =	swait.ge @!p0 [sflag:s0], s1  }
0x61: {  	s1 =	ssub.s32 @!p0 $0x0, s1;
	[sflag:s0] =	ssyncset.done @!p0 $0x0  }
0x62: {  	[sflag:s0] =	ssyncadd.s32 @!p0 s1  }
0x63: {  	[bflag:$0x3] =	sbarrier.arrive $0xFFFF  }
0x64: {  	_ =	shalt  }

</sc_bundles>
